<compile_context>
chip_gen: v7x
topology: tpu7x:2x2x1
jax: 0.10.2.dev20260603
libtpu: 0.0.44.dev20260713+nightly
codegen_flags: <defaults>
</compile_context>

<pallas_src>
import functools

import numpy as np

import jax
import jax.numpy as jnp
from jax.experimental import pallas as pl
from jax.experimental.pallas import tpu as pltpu

N = 50000
NIN = 6
NH = 64
NOUT = 4
DEPTH = 3
RATIOS = [0.5, 0.5, 0.5]
RADII = [0.2, 0.4, 0.8]
MAXNB = 32
BIG = 2 ** 30


def _mlp_in_kernel(x_ref, w0_ref, b0_ref, w1_ref, b1_ref, o_ref):
    h = jnp.maximum(x_ref[...] @ w0_ref[...] + b0_ref[...], 0.0)
    o_ref[...] = jnp.maximum(h @ w1_ref[...] + b1_ref[...], 0.0)


def _mlp_in(x, W0, b0, W1, b1):
    n = x.shape[0]
    blk = 2000
    grid = (n + blk - 1) // blk
    return pl.pallas_call(
        _mlp_in_kernel,
        grid=(grid,),
        in_specs=[
            pl.BlockSpec((blk, NIN), lambda i: (i, 0)),
            pl.BlockSpec((NIN, 64), lambda i: (0, 0)),
            pl.BlockSpec((64,), lambda i: (0,)),
            pl.BlockSpec((64, NH), lambda i: (0, 0)),
            pl.BlockSpec((NH,), lambda i: (0,)),
        ],
        out_specs=pl.BlockSpec((blk, NH), lambda i: (i, 0)),
        out_shape=jax.ShapeDtypeStruct((n, NH), jnp.float32),
    )(x, W0, b0, W1, b1)


def _fps_kernel(n, n_keep, px_ref, py_ref, pz_ref, out_ref, dist_ref):
    R = px_ref.shape[0]
    flat = (jax.lax.broadcasted_iota(jnp.int32, (R, 128), 0) * 128
            + jax.lax.broadcasted_iota(jnp.int32, (R, 128), 1))
    lane = jax.lax.broadcasted_iota(jnp.int32, (1, 128), 1)
    dist_ref[...] = jnp.where(flat < n, jnp.inf, -jnp.inf)
    out_ref[0:1, :] = jnp.zeros((1, 1), jnp.int32)

    def body(i, last):
        r = last // 128
        c = last - r * 128
        lm = (lane == c)
        sx = jnp.sum(jnp.where(lm, px_ref[pl.ds(r, 1), :], 0.0))
        sy = jnp.sum(jnp.where(lm, py_ref[pl.ds(r, 1), :], 0.0))
        sz = jnp.sum(jnp.where(lm, pz_ref[pl.ds(r, 1), :], 0.0))
        dx = px_ref[...] - sx
        dy = py_ref[...] - sy
        dz = pz_ref[...] - sz
        d = (dx * dx + dy * dy) + dz * dz
        nd = jnp.minimum(dist_ref[...], d)
        dist_ref[...] = nd
        m = jnp.max(nd)
        idx = jnp.min(jnp.where(nd == m, flat, jnp.int32(2 ** 30)))
        out_ref[pl.ds(i, 1), :] = idx.reshape(1, 1)
        return idx

    jax.lax.fori_loop(1, n_keep, body, jnp.int32(0))


def _fps_idx(pos, n_keep):
    n = pos.shape[0]
    R = (n + 127) // 128
    Kr = (n_keep + 127) // 128
    pad = R * 128 - n
    p = jnp.pad(pos, ((0, pad), (0, 0)))
    px = p[:, 0].reshape(R, 128)
    py = p[:, 1].reshape(R, 128)
    pz = p[:, 2].reshape(R, 128)
    out = pl.pallas_call(
        functools.partial(_fps_kernel, n, n_keep),
        grid=(1,),
        in_specs=[pl.BlockSpec((R, 128), lambda i: (0, 0))] * 3,
        out_specs=pl.BlockSpec((Kr * 128, 1), lambda i: (0, 0)),
        out_shape=jax.ShapeDtypeStruct((Kr * 128, 1), jnp.int32),
        scratch_shapes=[pltpu.VMEM((R, 128), jnp.float32)],
    )(px, py, pz)
    return out.reshape(-1)[:n_keep]


def _nb_kernel(n_s, R, r2,
               psx_ref, psy_ref, psz_ref, pdx_ref, pdy_ref, pdz_ref,
               idx_ref, d2o_ref):
    DB = idx_ref.shape[0]
    lane1 = jax.lax.broadcasted_iota(jnp.int32, (1, 128), 1)
    laneD = jax.lax.broadcasted_iota(jnp.int32, (DB, 128), 1)
    laneK = jax.lax.broadcasted_iota(jnp.int32, (DB, MAXNB), 1)
    pdx = pdx_ref[...]
    pdy = pdy_ref[...]
    pdz = pdz_ref[...]
    inf = jnp.float32(jnp.inf)

    def init_f():
        return jnp.full((DB, 128), inf, jnp.float32)

    def init_i():
        return jnp.zeros((DB, 128), jnp.int32)

    def body(t, carry):
        M1, M2, M3, M4, M5, A1, A2, A3, A4, A5 = carry
        sx = psx_ref[pl.ds(t, 1), :]
        sy = psy_ref[pl.ds(t, 1), :]
        sz = psz_ref[pl.ds(t, 1), :]
        dx = pdx - sx
        dy = pdy - sy
        dz = pdz - sz
        d2 = (dx * dx + dy * dy) + dz * dz
        ok = (d2 <= r2) & (t * 128 + lane1 < n_s)
        v = jnp.where(ok, d2, inf)
        vi = jnp.zeros((DB, 128), jnp.int32) + t
        lt = v < M1
        M1, v2 = jnp.where(lt, v, M1), jnp.where(lt, M1, v)
        A1, vi2 = jnp.where(lt, vi, A1), jnp.where(lt, A1, vi)
        lt = v2 < M2
        M2, v3 = jnp.where(lt, v2, M2), jnp.where(lt, M2, v2)
        A2, vi3 = jnp.where(lt, vi2, A2), jnp.where(lt, A2, vi2)
        lt = v3 < M3
        M3, v4 = jnp.where(lt, v3, M3), jnp.where(lt, M3, v3)
        A3, vi4 = jnp.where(lt, vi3, A3), jnp.where(lt, A3, vi3)
        lt = v4 < M4
        M4, v5 = jnp.where(lt, v4, M4), jnp.where(lt, M4, v4)
        A4, vi5 = jnp.where(lt, vi4, A4), jnp.where(lt, A4, vi4)
        lt = v5 < M5
        M5 = jnp.where(lt, v5, M5)
        A5 = jnp.where(lt, vi5, A5)
        return (M1, M2, M3, M4, M5, A1, A2, A3, A4, A5)

    M1, M2, M3, M4, M5, A1, A2, A3, A4, A5 = jax.lax.fori_loop(
        0, R, body, (init_f(), init_f(), init_f(), init_f(), init_f(),
                     init_i(), init_i(), init_i(), init_i(), init_i()))

    out_i = jnp.zeros((DB, MAXNB), jnp.int32)
    out_d = jnp.zeros((DB, MAXNB), jnp.float32)
    for k in range(MAXNB):
        m = jnp.min(M1, axis=1, keepdims=True)
        mask = M1 == m
        flv = A1 * 128 + laneD
        sel = jnp.min(jnp.where(mask, flv, BIG), axis=1, keepdims=True)
        oh = mask & (flv == sel)
        M1 = jnp.where(oh, M2, M1)
        A1 = jnp.where(oh, A2, A1)
        M2 = jnp.where(oh, M3, M2)
        A2 = jnp.where(oh, A3, A2)
        M3 = jnp.where(oh, M4, M3)
        A3 = jnp.where(oh, A4, A3)
        M4 = jnp.where(oh, M5, M4)
        A4 = jnp.where(oh, A5, A4)
        M5 = jnp.where(oh, inf, M5)
        out_i = jnp.where(laneK == k, sel, out_i)
        out_d = jnp.where(laneK == k, m, out_d)
    out_i = jnp.where(out_d == inf, 0, out_i)
    idx_ref[...] = out_i
    d2o_ref[...] = out_d


def _radius_graph(pos_src, pos_dst, r, max_nb):
    n_s = pos_src.shape[0]
    n_d = pos_dst.shape[0]
    R = (n_s + 127) // 128
    S = R * 128
    DB = 32
    G = (n_d + DB - 1) // DB
    NDP = G * DB
    r2 = np.float32(r * r)

    ps = jnp.pad(pos_src, ((0, S - n_s), (0, 0)))
    psx = ps[:, 0].reshape(R, 128)
    psy = ps[:, 1].reshape(R, 128)
    psz = ps[:, 2].reshape(R, 128)
    pd = jnp.pad(pos_dst, ((0, NDP - n_d), (0, 0)), constant_values=1e9)
    pdx = pd[:, 0:1]
    pdy = pd[:, 1:2]
    pdz = pd[:, 2:3]

    idx, d2o = pl.pallas_call(
        functools.partial(_nb_kernel, n_s, R, r2),
        grid=(G,),
        in_specs=[pl.BlockSpec((R, 128), lambda i: (0, 0))] * 3
        + [pl.BlockSpec((DB, 1), lambda i: (i, 0))] * 3,
        out_specs=[pl.BlockSpec((DB, MAXNB), lambda i: (i, 0))] * 2,
        out_shape=[jax.ShapeDtypeStruct((NDP, MAXNB), jnp.int32),
                   jax.ShapeDtypeStruct((NDP, MAXNB), jnp.float32)],
    )(psx, psy, psz, pdx, pdy, pdz)
    idx = idx[:n_d]
    d2v = d2o[:n_d]
    valid = d2v != jnp.inf
    return idx, valid



def _ppf(pos_i, pos_j, n_i, n_j):
    d = pos_j - pos_i
    dn = jnp.linalg.norm(d, axis=-1, keepdims=True)

    def ang(a, b):
        cross = jnp.linalg.norm(jnp.cross(a, b), axis=-1)
        dot = jnp.sum(a * b, axis=-1)
        return jnp.arctan2(cross, dot)[..., None]

    return jnp.concatenate([dn, ang(n_i, d), ang(n_j, d), ang(n_i, n_j)], axis=-1)


def kernel(x, pos, norm, batch,
           W_in0, b_in0, W_in1, b_in1,
           Wf0, bf0, Ws0, bs0, Wf1, bf1, Ws1, bs1, Wf2, bf2, Ws2, bs2,
           Wg0, bg0, Wg1, bg1, W_out0, b_out0, W_out1, b_out1):
    h = _mlp_in(x, W_in0, b_in0, W_in1, b_in1)

    Wfs = [Wf0, Wf1, Wf2]; bfs = [bf0, bf1, bf2]
    Wss = [Ws0, Ws1, Ws2]; bss = [bs0, bs1, bs2]

    cur_x, cur_pos, cur_norm = h, pos, norm
    n_cur = N
    for lvl in range(DEPTH):
        n_keep = int(n_cur * RATIOS[lvl])
        sel = _fps_idx(cur_pos, n_keep)
        pos_d = cur_pos[sel]
        norm_d = cur_norm[sel]
        x_d = cur_x[sel]
        nb_idx, valid = _radius_graph(cur_pos, pos_d, RADII[lvl], MAXNB)
        x_j = cur_x[nb_idx]
        pos_j = cur_pos[nb_idx]
        n_j = cur_norm[nb_idx]
        ppf = _ppf(pos_d[:, None, :], pos_j, norm_d[:, None, :], n_j)
        x_i = jnp.broadcast_to(x_d[:, None, :], x_j.shape)
        z = jnp.concatenate([x_i, x_j, ppf], axis=-1)
        msg = jax.nn.sigmoid(z @ Wfs[lvl] + bfs[lvl]) * jax.nn.softplus(z @ Wss[lvl] + bss[lvl])
        msg = jnp.where(valid[..., None], msg, 0.0)
        cnt = jnp.maximum(jnp.sum(valid, axis=-1, keepdims=True).astype(jnp.float32), 1.0)
        agg = jnp.sum(msg, axis=1) / cnt
        cur_x = x_d + agg
        cur_pos = pos_d
        cur_norm = norm_d
        n_cur = n_keep

    gate = jax.nn.relu(cur_x @ Wg0 + bg0) @ Wg1 + bg1
    attn = jax.nn.softmax(gate, axis=0)
    pooled = jnp.sum(attn * cur_x, axis=0, keepdims=True)

    out = jax.nn.relu(pooled @ W_out0 + b_out0) @ W_out1 + b_out1
    return out

# --- scband reference (transcript-rebuilt; emitter-appended) ---
"""Pipeline reference for scband-model-72086731096204 (READ-ONLY COPY).

The authoritative reference and input builder live on the scoring server;
editing this copy changes nothing except your own understanding.
"""

import jax, jax.numpy as jnp
import numpy as np

N = 50000
NIN = 6
NH = 64
NOUT = 4
DEPTH = 3
RATIOS = [0.5, 0.5, 0.5]
RADII = [0.2, 0.4, 0.8]
MAXNB = 32
DIM_EDGE = 4  # ppf


def _glorot(key, shape):
    fan_in, fan_out = shape[0], shape[1]
    lim = np.sqrt(6.0 / (fan_in + fan_out))
    return jax.random.uniform(key, (shape[0], shape[1]), minval=-lim, maxval=lim, dtype=jnp.float32)


def setup_inputs(seed: int = 0) -> dict:
    key = jax.random.key(seed)
    ks = jax.random.split(key, 64)
    inp = {}
    inp['x'] = jax.random.normal(ks[0], (N, NIN), dtype=jnp.float32)
    inp['pos'] = jax.random.uniform(ks[1], (N, 3), dtype=jnp.float32)
    inp['norm'] = jax.random.normal(ks[2], (N, 3), dtype=jnp.float32)
    inp['batch'] = jnp.zeros((N,), dtype=jnp.int64)
    # lin_in: MLP [NIN, 64, NH], no batch_norm, relu acts
    inp['W_in0'] = _glorot(ks[3], (NIN, 64)); inp['b_in0'] = jnp.zeros((64,), jnp.float32)
    inp['W_in1'] = _glorot(ks[4], (64, NH)); inp['b_in1'] = jnp.zeros((NH,), jnp.float32)
    # CGConv per level: lin_f, lin_s on concat dim = 2*NH + DIM_EDGE -> NH
    din = 2 * NH + DIM_EDGE
    for i in range(DEPTH):
        inp[f'Wf{i}'] = _glorot(ks[5 + 4 * i], (din, NH)); inp[f'bf{i}'] = jnp.zeros((NH,), jnp.float32)
        inp[f'Ws{i}'] = _glorot(ks[6 + 4 * i], (din, NH)); inp[f'bs{i}'] = jnp.zeros((NH,), jnp.float32)
    # gate_nn: MLP [NH, NH, 1]
    inp['Wg0'] = _glorot(ks[20], (NH, NH)); inp['bg0'] = jnp.zeros((NH,), jnp.float32)
    inp['Wg1'] = _glorot(ks[21], (NH, 1)); inp['bg1'] = jnp.zeros((1,), jnp.float32)
    # lin_out: MLP [NH, NH, NOUT]
    inp['W_out0'] = _glorot(ks[22], (NH, NH)); inp['b_out0'] = jnp.zeros((NH,), jnp.float32)
    inp['W_out1'] = _glorot(ks[23], (NH, NOUT)); inp['b_out1'] = jnp.zeros((NOUT,), jnp.float32)
    return inp


def _fps_idx(pos, n_keep):
    # deterministic farthest point sampling (greedy), simplified with fori_loop
    n = pos.shape[0]
    dist = jnp.full((n,), jnp.inf, dtype=jnp.float32)
    idx0 = jnp.int32(0)
    sel = jnp.zeros((n_keep,), dtype=jnp.int32)
    sel = sel.at[0].set(idx0)

    def body(i, carry):
        sel, dist = carry
        last = sel[i - 1]
        d = jnp.sum((pos - pos[last]) ** 2, axis=-1)
        dist = jnp.minimum(dist, d)
        nxt = jnp.argmax(dist).astype(jnp.int32)
        sel = sel.at[i].set(nxt)
        return (sel, dist)

    sel, _ = jax.lax.fori_loop(1, n_keep, body, (sel, dist))
    return sel


def _radius_graph(pos_src, pos_dst, r, max_nb):
    # for each dst (sampled) node, find up to max_nb src neighbors within r
    # returns (src_idx[nd, max_nb], valid[nd, max_nb])
    d2 = jnp.sum((pos_dst[:, None, :] - pos_src[None, :, :]) ** 2, axis=-1)  # [nd, ns]
    within = d2 <= r * r
    # top-k by -d2 masked
    scores = jnp.where(within, -d2, -jnp.inf)
    vals, idx = jax.lax.top_k(scores, max_nb)
    valid = jnp.isfinite(vals)
    idx = jnp.where(valid, idx, 0)
    return idx.astype(jnp.int32), valid


def _ppf(pos_i, pos_j, n_i, n_j):
    d = pos_j - pos_i
    dn = jnp.linalg.norm(d, axis=-1, keepdims=True)

    def ang(a, b):
        cross = jnp.linalg.norm(jnp.cross(a, b), axis=-1)
        dot = jnp.sum(a * b, axis=-1)
        return jnp.arctan2(cross, dot)[..., None]

    return jnp.concatenate([dn, ang(n_i, d), ang(n_j, d), ang(n_i, n_j)], axis=-1)


def reference(x, pos, norm, batch,
              W_in0, b_in0, W_in1, b_in1,
              Wf0, bf0, Ws0, bs0, Wf1, bf1, Ws1, bs1, Wf2, bf2, Ws2, bs2,
              Wg0, bg0, Wg1, bg1, W_out0, b_out0, W_out1, b_out1):
    h = jax.nn.relu(x @ W_in0 + b_in0)
    h = jax.nn.relu(h @ W_in1 + b_in1)

    Wfs = [Wf0, Wf1, Wf2]; bfs = [bf0, bf1, bf2]
    Wss = [Ws0, Ws1, Ws2]; bss = [bs0, bs1, bs2]

    cur_x, cur_pos, cur_norm = h, pos, norm
    n_cur = N
    for lvl in range(DEPTH):
        n_keep = int(n_cur * RATIOS[lvl])
        sel = _fps_idx(cur_pos, n_keep)
        pos_d = cur_pos[sel]
        norm_d = cur_norm[sel]
        x_d = cur_x[sel]
        nb_idx, valid = _radius_graph(cur_pos, pos_d, RADII[lvl], MAXNB)  # [n_keep, MAXNB]
        # gather source features
        x_j = cur_x[nb_idx]                      # [n_keep, MAXNB, NH]
        pos_j = cur_pos[nb_idx]
        n_j = cur_norm[nb_idx]
        ppf = _ppf(pos_d[:, None, :], pos_j, norm_d[:, None, :], n_j)  # [n_keep, MAXNB, 4]
        x_i = jnp.broadcast_to(x_d[:, None, :], x_j.shape)
        z = jnp.concatenate([x_i, x_j, ppf], axis=-1)  # [n_keep, MAXNB, 2NH+4]
        msg = jax.nn.sigmoid(z @ Wfs[lvl] + bfs[lvl]) * jax.nn.softplus(z @ Wss[lvl] + bss[lvl])
        msg = jnp.where(valid[..., None], msg, 0.0)
        cnt = jnp.maximum(jnp.sum(valid, axis=-1, keepdims=True).astype(jnp.float32), 1.0)
        agg = jnp.sum(msg, axis=1) / cnt
        cur_x = x_d + agg  # CGConv residual
        cur_pos = pos_d
        cur_norm = norm_d
        n_cur = n_keep

    # global attention pooling over single graph
    gate = jax.nn.relu(cur_x @ Wg0 + bg0) @ Wg1 + bg1  # [n, 1]
    attn = jax.nn.softmax(gate, axis=0)
    pooled = jnp.sum(attn * cur_x, axis=0, keepdims=True)  # [1, NH]

    out = jax.nn.relu(pooled @ W_out0 + b_out0) @ W_out1 + b_out1
    return out

if __name__ == "__main__":
    import jax
    _d = setup_inputs()
    print(jax.jit(kernel)(*tuple(_d.values())))

</pallas_src>

<mosaic_0001>
module attributes {stable_mosaic.version = 14 : i64} {
  func.func @_mlp_in_kernel(%arg0: i32, %arg1: memref<2000x6xf32, #tpu.memory_space<vmem>>, %arg2: memref<6x64xf32, #tpu.memory_space<vmem>>, %arg3: memref<64xf32, #tpu.memory_space<vmem>>, %arg4: memref<64x64xf32, #tpu.memory_space<vmem>>, %arg5: memref<64xf32, #tpu.memory_space<vmem>>, %arg6: memref<2000x64xf32, #tpu.memory_space<vmem>>) attributes {dimension_semantics = [#tpu.dimension_semantics<arbitrary>], iteration_bounds = array<i64: 25>, scalar_prefetch = 0 : i64, scratch_operands = 0 : i64, tpu.core_type = #tpu.core_type<tc>, window_params = [{transform_indices = @transform_0, window_bounds = array<i64: 2000, 6>}, {pipeline_mode = #tpu.pipeline_mode<synchronous>, transform_indices = @transform_1, window_bounds = array<i64: 6, 64>}, {pipeline_mode = #tpu.pipeline_mode<synchronous>, transform_indices = @transform_2, window_bounds = array<i64: 64>}, {pipeline_mode = #tpu.pipeline_mode<synchronous>, transform_indices = @transform_3, window_bounds = array<i64: 64, 64>}, {pipeline_mode = #tpu.pipeline_mode<synchronous>, transform_indices = @transform_4, window_bounds = array<i64: 64>}, {transform_indices = @transform_5, window_bounds = array<i64: 2000, 64>}]} {
    %get3A = arith.constant 0 : index
    %get3A_0 = arith.constant 0 : index
    %get3A_1 = vector.load %arg1[%get3A, %get3A_0] : memref<2000x6xf32, #tpu.memory_space<vmem>>, vector<2000x6xf32>
    %get3A_2 = arith.constant 0 : index
    %get3A_3 = arith.constant 0 : index
    %get3A_4 = vector.load %arg2[%get3A_2, %get3A_3] : memref<6x64xf32, #tpu.memory_space<vmem>>, vector<6x64xf32>
    %dot_general3A = arith.constant dense<0.000000e+00> : vector<2000x64xf32>
    %dot_general3A_5 = tpu.matmul %get3A_1, %get3A_4, %dot_general3A {dimension_numbers = #tpu.dot_dimension_numbers<[1], [0], [0], [1], [0, 0, 1, 1], [], []>, transpose_lhs_hint = false} : vector<2000x6xf32>, vector<6x64xf32>, vector<2000x64xf32> -> vector<2000x64xf32>
    %get3A_6 = arith.constant 0 : index
    %get3A_7 = vector.load %arg3[%get3A_6] : memref<64xf32, #tpu.memory_space<vmem>>, vector<64xf32>
    %broadcast_in_dim3A = vector.shape_cast %get3A_7 : vector<64xf32> to vector<1x64xf32>
    %add3A = vector.broadcast %broadcast_in_dim3A : vector<1x64xf32> to vector<2000x64xf32>
    %add3A_8 = arith.addf %dot_general3A_5, %add3A : vector<2000x64xf32>
    %max3A = arith.constant 0.000000e+00 : f32
    %max3A_9 = vector.broadcast %max3A : f32 to vector<2000x64xf32>
    %max3A_10 = arith.maximumf %add3A_8, %max3A_9 : vector<2000x64xf32>
    %get3A_11 = arith.constant 0 : index
    %get3A_12 = arith.constant 0 : index
    %get3A_13 = vector.load %arg4[%get3A_11, %get3A_12] : memref<64x64xf32, #tpu.memory_space<vmem>>, vector<64x64xf32>
    %dot_general3A_14 = arith.constant dense<0.000000e+00> : vector<2000x64xf32>
    %dot_general3A_15 = tpu.matmul %max3A_10, %get3A_13, %dot_general3A_14 {dimension_numbers = #tpu.dot_dimension_numbers<[1], [0], [0], [1], [0, 0, 1, 1], [], []>, transpose_lhs_hint = false} : vector<2000x64xf32>, vector<64x64xf32>, vector<2000x64xf32> -> vector<2000x64xf32>
    %get3A_16 = arith.constant 0 : index
    %get3A_17 = vector.load %arg5[%get3A_16] : memref<64xf32, #tpu.memory_space<vmem>>, vector<64xf32>
    %broadcast_in_dim3A_18 = vector.shape_cast %get3A_17 : vector<64xf32> to vector<1x64xf32>
    %add3A_19 = vector.broadcast %broadcast_in_dim3A_18 : vector<1x64xf32> to vector<2000x64xf32>
    %add3A_20 = arith.addf %dot_general3A_15, %add3A_19 : vector<2000x64xf32>
    %max3A_21 = arith.constant 0.000000e+00 : f32
    %max3A_22 = vector.broadcast %max3A_21 : f32 to vector<2000x64xf32>
    %max3A_23 = arith.maximumf %add3A_20, %max3A_22 : vector<2000x64xf32>
    %swap3A = arith.constant 0 : index
    %swap3A_24 = arith.constant 0 : index
    %swap3A_25 = vector.load %arg6[%swap3A, %swap3A_24] : memref<2000x64xf32, #tpu.memory_space<vmem>>, vector<2000x64xf32>
    tpu.vector_store %arg6[%swap3A, %swap3A_24], %max3A_23 {strides = array<i32>} : memref<2000x64xf32, #tpu.memory_space<vmem>>, vector<2000x64xf32>,
    return
  }
  func.func @transform_0(%arg0: i32) -> (i32, i32) {
    %c0_i32 = arith.constant 0 : i32
    %c0_i32_0 = arith.constant 0 : i32
    return %arg0, %c0_i32 : i32, i32
  }
  func.func @transform_1(%arg0: i32) -> (i32, i32) {
    %c0_i32 = arith.constant 0 : i32
    %c0_i32_0 = arith.constant 0 : i32
    %c0_i32_1 = arith.constant 0 : i32
    return %c0_i32, %c0_i32_0 : i32, i32
  }
  func.func @transform_2(%arg0: i32) -> i32 {
    %c0_i32 = arith.constant 0 : i32
    %c0_i32_0 = arith.constant 0 : i32
    return %c0_i32 : i32
  }
  func.func @transform_3(%arg0: i32) -> (i32, i32) {
    %c0_i32 = arith.constant 0 : i32
    %c0_i32_0 = arith.constant 0 : i32
    %c0_i32_1 = arith.constant 0 : i32
    return %c0_i32, %c0_i32_0 : i32, i32
  }
  func.func @transform_4(%arg0: i32) -> i32 {
    %c0_i32 = arith.constant 0 : i32
    %c0_i32_0 = arith.constant 0 : i32
    return %c0_i32 : i32
  }
  func.func @transform_5(%arg0: i32) -> (i32, i32) {
    %c0_i32 = arith.constant 0 : i32
    %c0_i32_0 = arith.constant 0 : i32
    return %arg0, %c0_i32 : i32, i32
  }
}

</mosaic_0001>

<sc_bundles>
// kernel: gather_offload_async_start.1
scs
__scs_entry_jumppad:
0x0: {  	(pc) =	sbr.rel $0x88, $3  }
0x1: {  	(tag) =	ssettag $0x0;
	lr =	simm.s32 $0x1  }
0x2: {  	[smem:$0x3F86] =	sst lr;
	_ =	strace $0xD0000000  }
0x3: {  	_ = 	snop  }
0x4: {  	_ = 	snop  }
0x5: {  	_ = 	snop  }
0x6: {  	_ = 	snop  }
0x7: {  	_ = 	snop  }
__scs_overlays_trampoline_lowered:
0x8: {  	[smem:$0x3F95] =	sst s0  }
0x9: {  	[smem:$0x3F96] =	sst s1  }
0xa: {  	[smem:$0x3F97] =	sst s2  }
0xb: {  	[smem:$0x3F98] =	sst s3  }
0xc: {  	[smem:$0x3F99] =	sst s4  }
0xd: {  	[smem:$0x3F9A] =	sst s5  }
0xe: {  	[smem:$0x3F9B] =	sst s6  }
0xf: {  	[smem:$0x3F9C] =	sst s7  }
0x10: {  	[smem:$0x3F9D] =	sst s8  }
0x11: {  	[smem:$0x3F9E] =	sst s9;
	s0 =	simm.s32 @!p0 $0x0  }
0x12: {  	s1 =	sld [smem:$0x3F84];
	s0 =	simm.s32 @p0 $0x1  }
0x13: {  	[smem:$0x3F9F] =	sst s0;
	s0 =	simm.s32 @!p1 $0x0  }
0x14: {  	s2 =	sld [smem:$0x3F83];
	s0 =	simm.s32 @p1 $0x1  }
0x15: {  	[smem:$0x3FA0] =	sst s0;
	s0 =	simm.s32 @!p2 $0x0  }
0x16: {  	s3 =	sld [smem:$0x3FDB];
	s0 =	simm.s32 @p2 $0x1  }
0x17: {  	s4 =	simm.s32 $0x1BF5;
	[smem:$0x3FA2] =	sst s0  }
0x18: {  	s0 =	sld [smem:$0x3F85];
	_ =	swait.ge [sflag:s4], $0x0  }
0x19: {  	s7 =	sld [smem:$0x3F86]  }
0x1a: {  	s8 =	sadd.s32 $0xFFFFE003, lr  }
0x1b: {  	s9 =	sadd.s32 $0xFFFFFEF7, lr;
	s5 =	simm.s32 $0xFFFFFFFF;
	p2 =	slt.u32 s8, $0xFFFFF086  }
0x1c: {  	p1 =	slt.u32 s9, $0xF7A;
	s5 =	simm.s32 @!p2 $0x0  }
0x1d: {  	s5 =	simm.s32 @p1 $0x1;
	p0 =	seq.s32 s7, s2  }
0x1e: {  	s7 =	smul.u32 @!p0 $0xF7A, s2;
	p2 =	seq.s32 @!p0 s5, $0x0  }
0x1f: {  	s9 =	smul.u32 $0xF7A, s1;
	s8 =	simm.s32 @!p0 $0x1BF5;
	p2 =	por !p2, p0  }
0x20: {  	[sflag:s8] =	ssyncset.s32 @!p0 $0xFFFFF086;
	s6 =	sadd.s32 @!p0 s3, s7;
	s7 =	simm.s32 @!p0 $0x108  }
0x21: {  	s3 =	sadd.s32 s3, s9;
	s6 =	sadd.s32 @!p0 $0x88, s6;
	s7 =	simm.s32 @p2 $0x1082  }
0x22: {  	[simem:s7], [sflag:s8] =	dma.local @!p0 [hbm:s6], $0xF7A  }
0x23: {  	s9 =	sor.u32 $0xD0000000, s2;
	s6 =	simm.s32 $0x108;
	_ =	swait.ge @!p0 [sflag:s8], $0x0  }
0x24: {  	s3 =	sadd.s32 $0x88, s3;
	s6 =	simm.s32 @!p1 $0x1082;
	[sflag:s4] =	ssyncset.s32 $0xFFFFF086  }
0x25: {  	[simem:s6], [sflag:s4] =	dma.local [hbm:s3], $0xF7A  }
0x26: {  	[smem:$0x3F86] =	sst s1;
	(tag) =	ssettag s2;
	_ =	strace s9  }
0x27: {  	s1 =	sld [smem:$0x3F96]  }
0x28: {  	s2 =	sld [smem:$0x3F97]  }
0x29: {  	s4 =	sld [smem:$0x3F99]  }
0x2a: {  	p0 =	seq.s32 s5, $0x0;
	s5 =	sld [smem:$0x3F9A]  }
0x2b: {  	s6 =	sld [smem:$0x3F9B]  }
0x2c: {  	s7 =	sld [smem:$0x3F9C]  }
0x2d: {  	s3 =	simm.s32 $0x108;
	s8 =	sld [smem:$0x3F9D]  }
0x2e: {  	s3 =	simm.s32 @!p0 $0x1082;
	s9 =	sld [smem:$0x3F9E]  }
0x2f: {  	lr =	sadd.s32 s0, s3;
	s0 =	sld [smem:$0x3F95]  }
0x30: {  	s3 =	sld [smem:$0x3F98]  }
0x31: {  	[smem:$0x3FA1] =	sst s10  }
0x32: {  	s10 =	sld [smem:$0x3F9F];
	_ =	sdelay $0x3  }
0x33: {  	p0 =	seq.s32 s10, $0x1;
	s10 =	sld [smem:$0x3FA1];
	_ =	sdelay $0x3  }
0x34: {  	[smem:$0x3FA1] =	sst s10  }
0x35: {  	s10 =	sld [smem:$0x3FA0];
	_ =	sdelay $0x3  }
0x36: {  	p1 =	seq.s32 s10, $0x1;
	s10 =	sld [smem:$0x3FA1];
	_ =	sdelay $0x3  }
0x37: {  	[smem:$0x3FA1] =	sst s10  }
0x38: {  	s10 =	sld [smem:$0x3FA2]  }
0x39: {  	_ = 	snop;
	(pc) =	sbr.ind lr, $3  }
0x3a: {  	_ = 	snop  }
0x3b: {  	_ = 	snop  }
0x3c: {  	p2 =	seq.s32 s10, $0x1;
	s10 =	sld [smem:$0x3FA1]  }
0x3d: {  	_ =	shalt  }
0x3e: {  	_ =	shalt  }
0x3f: {  	_ =	shalt  }
0x40: {  	_ =	shalt  }
0x41: {  	_ =	shalt  }
0x42: {  	_ =	shalt  }
0x43: {  	_ =	shalt  }
0x44: {  	_ =	shalt  }
0x45: {  	_ =	shalt  }
0x46: {  	_ =	shalt  }
0x47: {  	_ =	shalt  }
0x48: {  	_ =	shalt  }
0x49: {  	_ =	shalt  }
0x4a: {  	_ =	shalt  }
0x4b: {  	_ =	shalt  }
0x4c: {  	_ =	shalt  }
0x4d: {  	_ =	shalt  }
0x4e: {  	_ =	shalt  }
0x4f: {  	_ =	shalt  }
0x50: {  	_ =	shalt  }
0x51: {  	_ =	shalt  }
0x52: {  	_ =	shalt  }
0x53: {  	_ =	shalt  }
0x54: {  	_ =	shalt  }
0x55: {  	_ =	shalt  }
0x56: {  	_ =	shalt  }
0x57: {  	_ =	shalt  }
0x58: {  	_ =	shalt  }
0x59: {  	_ =	shalt  }
0x5a: {  	_ =	shalt  }
0x5b: {  	_ =	shalt  }
0x5c: {  	_ =	shalt  }
0x5d: {  	_ =	shalt  }
0x5e: {  	_ =	shalt  }
0x5f: {  	_ =	shalt  }
0x60: {  	_ =	shalt  }
0x61: {  	_ =	shalt  }
0x62: {  	_ =	shalt  }
0x63: {  	_ =	shalt  }
0x64: {  	_ =	shalt  }
0x65: {  	_ =	shalt  }
0x66: {  	_ =	shalt  }
0x67: {  	_ =	shalt  }
0x68: {  	_ =	shalt  }
0x69: {  	_ =	shalt  }
0x6a: {  	_ =	shalt  }
0x6b: {  	_ =	shalt  }
0x6c: {  	_ =	shalt  }
0x6d: {  	_ =	shalt  }
0x6e: {  	_ =	shalt  }
0x6f: {  	_ =	shalt  }
0x70: {  	_ =	shalt  }
0x71: {  	_ =	shalt  }
0x72: {  	_ =	shalt  }
0x73: {  	_ =	shalt  }
0x74: {  	_ =	shalt  }
0x75: {  	_ =	shalt  }
0x76: {  	_ =	shalt  }
0x77: {  	_ =	shalt  }
0x78: {  	_ =	shalt  }
0x79: {  	_ =	shalt  }
0x7a: {  	_ =	shalt  }
0x7b: {  	_ =	shalt  }
0x7c: {  	_ =	shalt  }
0x7d: {  	_ =	shalt  }
0x7e: {  	_ =	shalt  }
0x7f: {  	_ =	shalt  }
0x80: {  	_ =	shalt  }
0x81: {  	_ =	shalt  }
0x82: {  	_ =	shalt  }
0x83: {  	_ =	shalt  }
0x84: {  	_ =	shalt  }
0x85: {  	_ =	shalt  }
0x86: {  	_ =	shalt  }
0x87: {  	_ =	shalt  }
.Lfunc_end0:
.L_simem_size_0:
called_computation.1_lowered:
.L_overlay_start_0:
0x88: {  	s0 =	sld [smem:$0x3FD9]  }
0x89: {  	s1 =	sld [smem:$0x3FFE];
	_ =	sdelay $0x3  }
0x8a: {  	s0 =	sadd.s32 s1, s0  }
0x8b: {  	[smem:$0x3FAD] =	sst s0  }
0x8c: {  	_ = 	snop  }
0x8d: {  	(tm) =	ssettm $0x1  }
0x8e: {  	s15 =	sld [smem:$0x3FFB];
	_ =	sdelay $0x3  }
0x8f: {  	_ =	strace s15  }
0x90: {  	s0 =	sld [smem:$0x3FFC];
	_ =	sdelay $0x3  }
0x91: {  	_ =	strace s0  }
0x92: {  	s0 =	sld [smem:$0x3FFD];
	_ =	sdelay $0x3  }
0x93: {  	_ =	strace s0  }
0x94: {  	_ =	strace $0x8FFFFFFF  }
0x95: {  	s16 =	sld [smem:$0x3FDB];
	_ =	sdelay $0x1  }
0x96: {  	s17 =	simm.s32 $_scs_section_size  }
0x97: {  	s2 =	simm.s32 $_size__tile_overlayer_lowered;
	s3 =	simm.s32 $_tile_overlayer_lowered  }
0x98: {  	s20 =	simm.s32 $0x1BFF;
	s19 =	sshll.u32 s3, $0x1;
	s0 =	sadd.s32 s17, s16  }
0x99: {  	s4 =	simm.s32 $0x0;
	s18 =	sshll.u32 s2, $0x1;
	s2 =	sadd.s32 s19, s0  }
0x9a: {  	[timem:s4], [sflag:s20] =	dma.local [hbm:s2], s18  }
0x9b: {  	_ =	swait.ge [sflag:s20], s18  }
0x9c: {  	s1 =	ssub.s32 $0x0, s18;
	[sflag:s20] =	ssyncset.done $0x0  }
0x9d: {  	[sflag:s20] =	ssyncadd.s32 s1;
	_ =	sdelay $0x1  }
0x9e: {  	s21 =	simm.s32 $0x1B8B  }
0x9f: {  	_ =	swait.ge [sflag:s21], $0x1  }
0xa0: {  	[sflag:s21] =	ssyncset.done $0x0  }
0xa1: {  	s23 =	simm.s32 $0x1B8E;
	s22 =	sld [smem:$0x3FFE];
	[sflag:s21] =	ssyncadd.s32 $0xFFFFFFFF  }
0xa2: {  	s24 =	simm.s32 $execute0_lowered;
	[smem:$0x3FD2] =	sst s23  }
0xa3: {  	s2 =	sshll.u32 s24, $0x1;
	_ =	strace $0x80000049;
	[dreg:$0x1] =	wrdreg $0xFFFFFFFF  }
0xa4: {  	s25 =	simm.s32 $_size_execute0_lowered;
	s0 =	sadd.s32 s0, s2;
	[dreg:$0x0] =	wrdreg $0x0  }
0xa5: {  	s2 =	sshll.u32 s25, $0x1;
	[dreg:$0x2] =	wrdreg s0  }
0xa6: {  	[dreg:$0x3] =	wrdreg s2  }
0xa7: {  	[dreg:$0x4] =	wrdreg $0xC0  }
0xa8: {  	_ =	task [dreg:s4], $0x5FFFF  }
0xa9: {  	[dreg:$0x1] =	wrdreg $0xFFFFFFFF  }
0xaa: {  	[dreg:$0x0] =	wrdreg $0x60  }
0xab: {  	[dreg:$0x2] =	wrdreg s22  }
0xac: {  	[dreg:$0x3] =	wrdreg $0x9  }
0xad: {  	_ =	task.clear_ibuf [dreg:s4], $0x4FFFF;
	_ =	strace $0x90000049  }
0xae: {  	s26 =	simm.s32 $0x9;
	_ =	strace $0x8000004B  }
0xaf: {  	_ =	swait.ge [sflag:s26], $0x1  }
0xb0: {  	[sflag:s26] =	ssyncadd.s32 $0xFFFFFFFF  }
0xb1: {  	_ =	strace $0x9000004B  }
0xb2: {  	_ =	sfence  }
0xb3: {  	s28 =	sld [smem:$0x0];
	_ =	sdelay $0x1  }
0xb4: {  	s29 =	srdreg.scid  }
0xb5: {  	s30 =	sshll.u32 s29, $0xD;
	s31 =	sshrl.u32 s29, $0x2  }
0xb6: {  	s1 =	sand.u32 $0x1, s29;
	s2 =	sand.u32 $0x4000, s30;
	s0 =	sadd.s32 s31, s28  }
0xb7: {  	s1 =	sor.u32 s2, s1;
	s0 =	sshll.u32 s0, $0x11  }
0xb8: {  	s0 =	sor.u32 s0, s1  }
0xb9: {  	s0 =	sadd.s32 $0x8F2B, s0  }
0xba: {  	[sflag:s0] =	ssyncadd.remote.s32 $0x1  }
0xbb: {  	_ =	sfence.sel $0xFFFF  }
0xbc: {  	[dreg:$0x0] =	wrdreg $0xFFFFFFFF;
	(pc) =	sbr.abs _section_cstart, $3  }
0xbd: {  	[dreg:$0x1] =	wrdreg $0xFFFFFFFF  }
0xbe: {  	_ =	task.clear_ibuf [dreg:s4], $0x2FFFF;
	_ =	strace $0x9FFFFFFF  }
0xbf: {  	(tm) =	ssettm $0x7FFFFFFF  }
tec
execute0_lowered:
.L_overlay_start_1:
0x0: {  	(tag) =	ssettag $0x1  }
0x1: {  	s0 =	stileid.u32  }
0x2: {  	s1 =	smul.u32 $0x7, s0  }
0x3: {  	s2 =	smin.u32 s0, $0xD  }
0x4: {  	s1 =	sadd.s32 s2, s1  }
0x5: {  	p0 =	slt.u32 s0, $0xD;
	s2 =	simm.s32 $0x640;
	s1 =	smul.u32 $0xC8, s1  }
0x6: {  	s2 =	simm.s32 @!p0 $0x578  }
0x7: {  	s2 =	sadd.s32 s2, s1  }
0x8: {  	s3 =	smin.u32 s2, $0x61A8  }
0x9: {  	s7 =	ssub.s32 s3, s1  }
0xa: {  	p0 =	sgt.s32 s7, $0x0  }
0xb: {  	s7 =	simm.s32 @!p0 $0x0  }
0xc: {  	s31 =	sand.u32 $0xFFF8, s7  }
0xd: {  	s2 =	sshrl.u32 s31, $0x3  }
0xe: {  	s4 =	smul.u32 $0x147B, s2  }
0xf: {  	s9 =	rddreg [dreg:$0x0];
	s6 =	simm.s32 $0x1;
	s11 =	simm.s32 $0x3  }
0x10: {  	s13 =	simm.s32 $0x0;
	s12 =	simm.s32 $0x0;
	s8 =	sshrl.u32 s4, $0x11  }
0x11: {  	s2 =	rddreg [dreg:$0x1];
	_ =	strace $0x8000004A;
	s10 =	smul.u32 $0xC8, s8  }
.Ltmp0:
0x12: {  	s5 =	sadd.s32 $0xC3600, s9;
	[sflag:s6] =	ssyncpa.u1 $0x0;
	(pc) =	sbr.rel .LBB2_1-.Ltmp0, $4  }
0x13: {  	s4 =	sadd.s32 $0x1EAE00, s9;
	p0 =	sne.s32 s7, s10;
	s10 =	simm.s32 $0x1  }
0x14: {  	s9 =	sadd.s32 $0x12AA00, s9;
	s7 =	simm.s32 $0x2;
	s10 =	simm.s32 @!p0 $0x0  }
0x15: {  	[sflag:s7] =	ssyncpa.u1 $0x0;
	p0 =	por $0x0, $0x0;
	s8 =	sadd.s32 s8, s10  }
0x16: {  	vm0 =	vmmov $0xff;
	vm1 =	vcmask $0x3F20;
	[sflag:s11] =	ssyncpa.u1 $0x0;
	s11 =	smov.u32 s1;
	s10 =	sadd.s32 $0x1, s8  }
.LBB2_6:
0x17: {  	[hbm:s17] =	stream.linear.scatter [tilespmem:s14], [sflag:$0x3], $0x400, $0x38;
	[tilespmem:$0xC990] =	vst v63  }
.LBB2_7:
0x18: {  	s13 =	sadd.s32 $0xC8, s11  }
0x19: {  	s15 =	smov.u32 s1;
	p2 =	slt.s32 s13, s3  }
0x1a: {  	s15 =	smov.u32 @p2 s13;
	p2 =	sne.s32 s12, s10  }
.Ltmp1:
0x1b: {  	p1 =	slt.u32 s12, $0x2;
	(pc) =	sbr.rel @!p2 .LBB2_8-.Ltmp1, $4  }
0x1c: {  	s14 =	simm.s32 @!p1 $0x3  }
0x1d: {  	s16 =	sadd.s32 $0x1, s12;
	_ =	swait.ge @!p1 [sflag:s14], $0x6400  }
0x1e: {  	p0 =	por !p0, !p0;
	s13 =	smov.u32 s11;
	[sflag:s14] =	ssyncset.done @!p1 $0x0  }
0x1f: {  	s12 =	smov.u32 s16;
	s11 =	smov.u32 s15;
	[sflag:s14] =	ssyncadd.s32 @!p1 $0xFFFF9C00  }
.LBB2_1:
0x20: {  	p1 =	sge.u32 s12, s8  }
0x21: {  	s14 =	sxor.u32 @!p1 $0xFFFFFFFF, s12  }
0x22: {  	s14 =	sand.u32 @!p1 $0x1, s14  }
0x23: {  	s14 =	smul.u32 @!p1 $0x320, s14  }
0x24: {  	s31 =	sadd.s32 $0xFFFFFFFF, s12;
	s15 =	sshrl.u32 @!p1 s11, $0x3  }
0x25: {  	s16 =	sand.u32 @!p1 $0x7, s11;
	s15 =	sadd.s32 @!p1 s5, s15;
	s14 =	sshrl.u32 @!p1 s14, $0x2  }
0x26: {  	[tilespmem:s14], [sflag:$0x2] =	stream.linear.gather @!p1 [hbm4b:s15+s16], $0xC8, $0x38;
	[tilespmem:$0xC990] =	vst v63  }
0x27: {  	p1 =	sge.u32 s31, s8  }
.Ltmp2:
0x28: {  	_ = 	snop;
	(pc) =	sbr.rel @p1 .LBB2_7-.Ltmp2, $1  }
0x29: {  	_ =	sdelay $0x3  }
0x2a: {  	s14 =	simm.s32 $0x1  }
0x2b: {  	s14 =	simm.s32 @!p0 $0x0  }
0x2c: {  	s15 =	smul.u32 $0x320, s14  }
0x2d: {  	_ =	swait.ge [sflag:s7], $0xC8  }
0x2e: {  	[sflag:s7] =	ssyncset.done $0x0;
	s16 =	sshrl.u32 s15, $0x2  }
0x2f: {  	[sflag:s7] =	ssyncadd.s32 $0xFFFFFF38;
	s15 =	sadd.s32 $0x0, s16  }
0x30: {  	v0 =	vld.msk [tilespmem:s15+$0x0 ss:$0x1], $0xffff;
	_ =	sdelay $0x4  }
0x31: {  	vm2 =	vgt.s32 v0, $0x0  }
0x32: {  	v0 =	vnsel vm2, $0x0, v0  }
0x33: {  	v0 =	vmin.u32 v0, $0xC34F  }
0x34: {  	v0 =	vshll.u32 v0, $0x4  }
0x35: {  	s14 =	smul.u32 $0x19000, s14  }
0x36: {  	s31 =	sand.u32 $0x1, s12  }
0x37: {  	s17 =	smul.u32 $0x320, s31;
	s14 =	sshrl.u32 s14, $0x2  }
0x38: {  	s19 =	smul.u32 $0x19000, s31;
	s14 =	sor.u32 $0x190, s14  }
0x39: {  	[tilespmem:s14], [sflag:$0x1] =	stream.indirect_vreg.gather [hbm:s4], $0x80, v0, vm0, $0x38;
	[tilespmem:$0xC990] =	vst v63  }
0x3a: {  	s18 =	sshrl.u32 s17, $0x2;
	s20 =	sadd.s32 $0x10, s16;
	s15 =	sadd.s32 $0x400, s14  }
0x3b: {  	[tilespmem:s15], [sflag:$0x1] =	stream.indirect_vreg.gather [hbm:s4], $0x80, v0, vm1, $0x38;
	[tilespmem:$0xC990] =	vst v63  }
0x3c: {  	s17 =	sshrl.u32 s19, $0x2;
	s19 =	smov.u32 s14;
	v0 =	vld.msk [tilespmem:s20+$0x0 ss:$0x1], $0xffff;
	s20 =	simm.s32 $0x80  }
.LBB2_3:
0x3d: {  	p1 =	sne.s32 s20, $0x2C0;
	_ =	sdelay $0x4  }
0x3e: {  	vm2 =	vgt.s32 v0, $0x0  }
0x3f: {  	v0 =	vnsel vm2, $0x0, v0  }
0x40: {  	v0 =	vmin.u32 v0, $0xC34F  }
0x41: {  	v0 =	vshll.u32 v0, $0x4;
	_ =	sdelay $0x3  }
.Ltmp3:
0x42: {  	s21 =	sshra.s32 s20, $0x2;
	s19 =	sadd.s32 $0x800, s19;
	(pc) =	sbr.rel @p1 .LBB2_3-.Ltmp3, $4  }
0x43: {  	[tilespmem:s19], [sflag:$0x1] =	stream.indirect_vreg.gather [hbm:s4], $0x80, v0, vm0, $0x38;
	[tilespmem:$0xC990] =	vst v63  }
0x44: {  	s21 =	sadd.s32 s21, s16;
	s22 =	sadd.s32 $0x400, s19  }
0x45: {  	[tilespmem:s22], [sflag:$0x1] =	stream.indirect_vreg.gather [hbm:s4], $0x80, v0, vm1, $0x38;
	[tilespmem:$0xC990] =	vst v63  }
0x46: {  	s20 =	sadd.s32 $0x40, s20;
	v0 =	vld.msk [tilespmem:s21+$0x0 ss:$0x1], $0xffff  }
0x47: {  	_ =	sdelay $0x3  }
0x48: {  	vm2 =	vgt.s32 v0, $0x0  }
0x49: {  	v0 =	vnsel vm2, $0x0, v0  }
0x4a: {  	v0 =	vmin.u32 v0, $0xC34F  }
0x4b: {  	v0 =	vshll.u32 v0, $0x4;
	_ =	sdelay $0x3  }
0x4c: {  	s16 =	sadd.s32 $0x800, s19  }
0x4d: {  	[tilespmem:s16], [sflag:$0x1] =	stream.indirect_vreg.gather [hbm:s4], $0x80, v0, vm0, $0x38;
	[tilespmem:$0xC990] =	vst v63  }
0x4e: {  	s16 =	sadd.s32 $0x400, s16  }
0x4f: {  	[tilespmem:s16], [sflag:$0x1] =	stream.indirect_vreg.gather [hbm:s4], $0x80, v0, vm1, $0x38;
	[tilespmem:$0xC990] =	vst v63  }
0x50: {  	v0 =	vld.msk [tilespmem:s18+$0xC0 ss:$0x1], $0xff;
	_ =	sdelay $0x4  }
0x51: {  	vm2 =	vgt.s32 v0, $0x0  }
0x52: {  	v0 =	vnsel vm2, $0x0, v0  }
0x53: {  	v0 =	vmin.u32 v0, $0xC34F  }
0x54: {  	v0 =	vshll.u32 v0, $0x4;
	_ =	sdelay $0x3  }
0x55: {  	s31 =	sadd.s32 $0x6190, s17  }
0x56: {  	[tilespmem:s31], [sflag:$0x1] =	stream.indirect_vreg.gather [hbm:s4], $0x80, v0, vm0, $0x38;
	[tilespmem:$0xC990] =	vst v63  }
0x57: {  	s13 =	sshll.u32 s13, $0x4;
	_ =	swait.ge [sflag:s6], $0x6400  }
0x58: {  	s13 =	sadd.s32 s13, s9;
	[sflag:s6] =	ssyncset.done $0x0  }
0x59: {  	s17 =	sadd.s32 $0x0, s13;
	s16 =	simm.s32 $0x80;
	[sflag:s6] =	ssyncadd.s32 $0xFFFF9C00  }
.LBB2_5:
0x5a: {  	[hbm:s17] =	stream.linear.scatter [tilespmem:s14], [sflag:$0x3], $0x400, $0x38;
	[tilespmem:$0xC990] =	vst v63  }
0x5b: {  	s17 =	smov.u32 s16;
	s14 =	smov.u32 s15;
	p1 =	sne.s32 s16, $0xC00  }
.Ltmp4:
0x5c: {  	s16 =	sadd.s32 $0x80, s16;
	(pc) =	sbr.rel @p1 .LBB2_5-.Ltmp4, $2  }
0x5d: {  	_ =	sdelay $0x2  }
0x5e: {  	s15 =	sadd.s32 $0x400, s15;
	s17 =	sadd.s32 s17, s13  }
.Ltmp5:
0x5f: {  	_ = 	snop;
	(pc) =	sbr.rel .LBB2_6-.Ltmp5, $1  }
0x60: {  	_ =	sdelay $0x3  }
.LBB2_8:
0x61: {  	_ =	sfence.sel $0x180000  }
0x62: {  	s1 =	simm.s32 $0x2;
	[bflag:$0x0] =	sbarrier.arrive $0xFFFF  }
0x63: {  	s30 =	simm.s32 $0x3;
	[sflag:s1] =	ssyncpa.u1 $0x1  }
0x64: {  	s31 =	simm.s32 $0x1;
	[sflag:s30] =	ssyncpa.u1 $0x1  }
0x65: {  	[sflag:s31] =	ssyncpa.u1 $0x1  }
0x66: {  	p0 =	sne.s32 s0, $0x0;
	_ =	strace $0x9000004A  }
0x67: {  	s0 =	sadd.s32 @!p0 $0x100000, s2;
	[bflag:$0x2] =	sbarrier.arrive $0xFFFF  }
0x68: {  	[sflag:s0] =	ssyncadd.tile.s32 @!p0 $0x1;
	_ =	shalt  }
.Lfunc_end2:
_tile_overlayer_lowered:
.L_overlay_start_2:
0x69: {  	(tag) =	ssettag $0x2  }
0x6a: {  	s0 =	rddreg [dreg:$0x0];
	s2 =	stileid.u32  }
0x6b: {  	s1 =	rddreg [dreg:$0x1];
	p0 =	sne.s32 s2, $0x0  }
0x6c: {  	s3 =	rddreg [dreg:$0x2];
	[bflag:$0x3] =	sbarrier.arrive $0xFFFF;
	s2 =	simm.s32 @!p0 $0x1C01  }
0x6d: {  	[timem:s3], [sflag:s2] =	dma.local @!p0 [hbm:s0], s1  }
0x6e: {  	s0 =	simm.s32 @!p0 $0x1  }
0x6f: {  	_ =	swait.ge @!p0 [sflag:s0], s1  }
0x70: {  	s1 =	ssub.s32 @!p0 $0x0, s1;
	[sflag:s0] =	ssyncset.done @!p0 $0x0  }
0x71: {  	[sflag:s0] =	ssyncadd.s32 @!p0 s1  }
0x72: {  	[bflag:$0x3] =	sbarrier.arrive $0xFFFF  }
0x73: {  	_ =	shalt  }

// kernel: gather_offload_async_start.2
scs
__scs_entry_jumppad:
0x0: {  	(pc) =	sbr.rel $0x88, $3  }
0x1: {  	(tag) =	ssettag $0x0;
	lr =	simm.s32 $0x1  }
0x2: {  	[smem:$0x3F86] =	sst lr;
	_ =	strace $0xD0000000  }
0x3: {  	_ = 	snop  }
0x4: {  	_ = 	snop  }
0x5: {  	_ = 	snop  }
0x6: {  	_ = 	snop  }
0x7: {  	_ = 	snop  }
__scs_overlays_trampoline_lowered:
0x8: {  	[smem:$0x3F95] =	sst s0  }
0x9: {  	[smem:$0x3F96] =	sst s1  }
0xa: {  	[smem:$0x3F97] =	sst s2  }
0xb: {  	[smem:$0x3F98] =	sst s3  }
0xc: {  	[smem:$0x3F99] =	sst s4  }
0xd: {  	[smem:$0x3F9A] =	sst s5  }
0xe: {  	[smem:$0x3F9B] =	sst s6  }
0xf: {  	[smem:$0x3F9C] =	sst s7  }
0x10: {  	[smem:$0x3F9D] =	sst s8  }
0x11: {  	[smem:$0x3F9E] =	sst s9;
	s0 =	simm.s32 @!p0 $0x0  }
0x12: {  	s1 =	sld [smem:$0x3F84];
	s0 =	simm.s32 @p0 $0x1  }
0x13: {  	[smem:$0x3F9F] =	sst s0;
	s0 =	simm.s32 @!p1 $0x0  }
0x14: {  	s2 =	sld [smem:$0x3F83];
	s0 =	simm.s32 @p1 $0x1  }
0x15: {  	[smem:$0x3FA0] =	sst s0;
	s0 =	simm.s32 @!p2 $0x0  }
0x16: {  	s3 =	sld [smem:$0x3FDB];
	s0 =	simm.s32 @p2 $0x1  }
0x17: {  	s4 =	simm.s32 $0x1BF5;
	[smem:$0x3FA2] =	sst s0  }
0x18: {  	s0 =	sld [smem:$0x3F85];
	_ =	swait.ge [sflag:s4], $0x0  }
0x19: {  	s7 =	sld [smem:$0x3F86]  }
0x1a: {  	s8 =	sadd.s32 $0xFFFFE003, lr  }
0x1b: {  	s9 =	sadd.s32 $0xFFFFFEF7, lr;
	s5 =	simm.s32 $0xFFFFFFFF;
	p2 =	slt.u32 s8, $0xFFFFF086  }
0x1c: {  	p1 =	slt.u32 s9, $0xF7A;
	s5 =	simm.s32 @!p2 $0x0  }
0x1d: {  	s5 =	simm.s32 @p1 $0x1;
	p0 =	seq.s32 s7, s2  }
0x1e: {  	s7 =	smul.u32 @!p0 $0xF7A, s2;
	p2 =	seq.s32 @!p0 s5, $0x0  }
0x1f: {  	s9 =	smul.u32 $0xF7A, s1;
	s8 =	simm.s32 @!p0 $0x1BF5;
	p2 =	por !p2, p0  }
0x20: {  	[sflag:s8] =	ssyncset.s32 @!p0 $0xFFFFF086;
	s6 =	sadd.s32 @!p0 s3, s7;
	s7 =	simm.s32 @!p0 $0x108  }
0x21: {  	s3 =	sadd.s32 s3, s9;
	s6 =	sadd.s32 @!p0 $0x88, s6;
	s7 =	simm.s32 @p2 $0x1082  }
0x22: {  	[simem:s7], [sflag:s8] =	dma.local @!p0 [hbm:s6], $0xF7A  }
0x23: {  	s9 =	sor.u32 $0xD0000000, s2;
	s6 =	simm.s32 $0x108;
	_ =	swait.ge @!p0 [sflag:s8], $0x0  }
0x24: {  	s3 =	sadd.s32 $0x88, s3;
	s6 =	simm.s32 @!p1 $0x1082;
	[sflag:s4] =	ssyncset.s32 $0xFFFFF086  }
0x25: {  	[simem:s6], [sflag:s4] =	dma.local [hbm:s3], $0xF7A  }
0x26: {  	[smem:$0x3F86] =	sst s1;
	(tag) =	ssettag s2;
	_ =	strace s9  }
0x27: {  	s1 =	sld [smem:$0x3F96]  }
0x28: {  	s2 =	sld [smem:$0x3F97]  }
0x29: {  	s4 =	sld [smem:$0x3F99]  }
0x2a: {  	p0 =	seq.s32 s5, $0x0;
	s5 =	sld [smem:$0x3F9A]  }
0x2b: {  	s6 =	sld [smem:$0x3F9B]  }
0x2c: {  	s7 =	sld [smem:$0x3F9C]  }
0x2d: {  	s3 =	simm.s32 $0x108;
	s8 =	sld [smem:$0x3F9D]  }
0x2e: {  	s3 =	simm.s32 @!p0 $0x1082;
	s9 =	sld [smem:$0x3F9E]  }
0x2f: {  	lr =	sadd.s32 s0, s3;
	s0 =	sld [smem:$0x3F95]  }
0x30: {  	s3 =	sld [smem:$0x3F98]  }
0x31: {  	[smem:$0x3FA1] =	sst s10  }
0x32: {  	s10 =	sld [smem:$0x3F9F];
	_ =	sdelay $0x3  }
0x33: {  	p0 =	seq.s32 s10, $0x1;
	s10 =	sld [smem:$0x3FA1];
	_ =	sdelay $0x3  }
0x34: {  	[smem:$0x3FA1] =	sst s10  }
0x35: {  	s10 =	sld [smem:$0x3FA0];
	_ =	sdelay $0x3  }
0x36: {  	p1 =	seq.s32 s10, $0x1;
	s10 =	sld [smem:$0x3FA1];
	_ =	sdelay $0x3  }
0x37: {  	[smem:$0x3FA1] =	sst s10  }
0x38: {  	s10 =	sld [smem:$0x3FA2]  }
0x39: {  	_ = 	snop;
	(pc) =	sbr.ind lr, $3  }
0x3a: {  	_ = 	snop  }
0x3b: {  	_ = 	snop  }
0x3c: {  	p2 =	seq.s32 s10, $0x1;
	s10 =	sld [smem:$0x3FA1]  }
0x3d: {  	_ =	shalt  }
0x3e: {  	_ =	shalt  }
0x3f: {  	_ =	shalt  }
0x40: {  	_ =	shalt  }
0x41: {  	_ =	shalt  }
0x42: {  	_ =	shalt  }
0x43: {  	_ =	shalt  }
0x44: {  	_ =	shalt  }
0x45: {  	_ =	shalt  }
0x46: {  	_ =	shalt  }
0x47: {  	_ =	shalt  }
0x48: {  	_ =	shalt  }
0x49: {  	_ =	shalt  }
0x4a: {  	_ =	shalt  }
0x4b: {  	_ =	shalt  }
0x4c: {  	_ =	shalt  }
0x4d: {  	_ =	shalt  }
0x4e: {  	_ =	shalt  }
0x4f: {  	_ =	shalt  }
0x50: {  	_ =	shalt  }
0x51: {  	_ =	shalt  }
0x52: {  	_ =	shalt  }
0x53: {  	_ =	shalt  }
0x54: {  	_ =	shalt  }
0x55: {  	_ =	shalt  }
0x56: {  	_ =	shalt  }
0x57: {  	_ =	shalt  }
0x58: {  	_ =	shalt  }
0x59: {  	_ =	shalt  }
0x5a: {  	_ =	shalt  }
0x5b: {  	_ =	shalt  }
0x5c: {  	_ =	shalt  }
0x5d: {  	_ =	shalt  }
0x5e: {  	_ =	shalt  }
0x5f: {  	_ =	shalt  }
0x60: {  	_ =	shalt  }
0x61: {  	_ =	shalt  }
0x62: {  	_ =	shalt  }
0x63: {  	_ =	shalt  }
0x64: {  	_ =	shalt  }
0x65: {  	_ =	shalt  }
0x66: {  	_ =	shalt  }
0x67: {  	_ =	shalt  }
0x68: {  	_ =	shalt  }
0x69: {  	_ =	shalt  }
0x6a: {  	_ =	shalt  }
0x6b: {  	_ =	shalt  }
0x6c: {  	_ =	shalt  }
0x6d: {  	_ =	shalt  }
0x6e: {  	_ =	shalt  }
0x6f: {  	_ =	shalt  }
0x70: {  	_ =	shalt  }
0x71: {  	_ =	shalt  }
0x72: {  	_ =	shalt  }
0x73: {  	_ =	shalt  }
0x74: {  	_ =	shalt  }
0x75: {  	_ =	shalt  }
0x76: {  	_ =	shalt  }
0x77: {  	_ =	shalt  }
0x78: {  	_ =	shalt  }
0x79: {  	_ =	shalt  }
0x7a: {  	_ =	shalt  }
0x7b: {  	_ =	shalt  }
0x7c: {  	_ =	shalt  }
0x7d: {  	_ =	shalt  }
0x7e: {  	_ =	shalt  }
0x7f: {  	_ =	shalt  }
0x80: {  	_ =	shalt  }
0x81: {  	_ =	shalt  }
0x82: {  	_ =	shalt  }
0x83: {  	_ =	shalt  }
0x84: {  	_ =	shalt  }
0x85: {  	_ =	shalt  }
0x86: {  	_ =	shalt  }
0x87: {  	_ =	shalt  }
.Lfunc_end0:
.L_simem_size_0:
called_computation.2_lowered:
.L_overlay_start_0:
0x88: {  	s0 =	sld [smem:$0x3FD9]  }
0x89: {  	s1 =	sld [smem:$0x3FFE];
	_ =	sdelay $0x3  }
0x8a: {  	s0 =	sadd.s32 s1, s0  }
0x8b: {  	[smem:$0x3FAD] =	sst s0  }
0x8c: {  	_ = 	snop  }
0x8d: {  	(tm) =	ssettm $0x1  }
0x8e: {  	s15 =	sld [smem:$0x3FFB];
	_ =	sdelay $0x3  }
0x8f: {  	_ =	strace s15  }
0x90: {  	s0 =	sld [smem:$0x3FFC];
	_ =	sdelay $0x3  }
0x91: {  	_ =	strace s0  }
0x92: {  	s0 =	sld [smem:$0x3FFD];
	_ =	sdelay $0x3  }
0x93: {  	_ =	strace s0  }
0x94: {  	_ =	strace $0x8FFFFFFF  }
0x95: {  	s16 =	sld [smem:$0x3FDB];
	_ =	sdelay $0x1  }
0x96: {  	s17 =	simm.s32 $_scs_section_size  }
0x97: {  	s2 =	simm.s32 $_size__tile_overlayer_lowered;
	s3 =	simm.s32 $_tile_overlayer_lowered  }
0x98: {  	s20 =	simm.s32 $0x1BFF;
	s19 =	sshll.u32 s3, $0x1;
	s0 =	sadd.s32 s17, s16  }
0x99: {  	s4 =	simm.s32 $0x0;
	s18 =	sshll.u32 s2, $0x1;
	s2 =	sadd.s32 s19, s0  }
0x9a: {  	[timem:s4], [sflag:s20] =	dma.local [hbm:s2], s18  }
0x9b: {  	_ =	swait.ge [sflag:s20], s18  }
0x9c: {  	s1 =	ssub.s32 $0x0, s18;
	[sflag:s20] =	ssyncset.done $0x0  }
0x9d: {  	[sflag:s20] =	ssyncadd.s32 s1;
	_ =	sdelay $0x1  }
0x9e: {  	s21 =	simm.s32 $0x1B8B  }
0x9f: {  	_ =	swait.ge [sflag:s21], $0x1  }
0xa0: {  	[sflag:s21] =	ssyncset.done $0x0  }
0xa1: {  	s23 =	simm.s32 $0x1B8E;
	s22 =	sld [smem:$0x3FFE];
	[sflag:s21] =	ssyncadd.s32 $0xFFFFFFFF  }
0xa2: {  	s24 =	simm.s32 $execute0_lowered;
	[smem:$0x3FD2] =	sst s23  }
0xa3: {  	s2 =	sshll.u32 s24, $0x1;
	_ =	strace $0x8000004C;
	[dreg:$0x1] =	wrdreg $0xFFFFFFFF  }
0xa4: {  	s25 =	simm.s32 $_size_execute0_lowered;
	s0 =	sadd.s32 s0, s2;
	[dreg:$0x0] =	wrdreg $0x0  }
0xa5: {  	s2 =	sshll.u32 s25, $0x1;
	[dreg:$0x2] =	wrdreg s0  }
0xa6: {  	[dreg:$0x3] =	wrdreg s2  }
0xa7: {  	[dreg:$0x4] =	wrdreg $0xC0  }
0xa8: {  	_ =	task [dreg:s4], $0x5FFFF  }
0xa9: {  	[dreg:$0x1] =	wrdreg $0xFFFFFFFF  }
0xaa: {  	[dreg:$0x0] =	wrdreg $0x60  }
0xab: {  	[dreg:$0x2] =	wrdreg s22  }
0xac: {  	[dreg:$0x3] =	wrdreg $0x9  }
0xad: {  	_ =	task.clear_ibuf [dreg:s4], $0x4FFFF;
	_ =	strace $0x9000004C  }
0xae: {  	s26 =	simm.s32 $0x9;
	_ =	strace $0x8000004E  }
0xaf: {  	_ =	swait.ge [sflag:s26], $0x1  }
0xb0: {  	[sflag:s26] =	ssyncadd.s32 $0xFFFFFFFF  }
0xb1: {  	_ =	strace $0x9000004E  }
0xb2: {  	_ =	sfence  }
0xb3: {  	s28 =	sld [smem:$0x0];
	_ =	sdelay $0x1  }
0xb4: {  	s29 =	srdreg.scid  }
0xb5: {  	s30 =	sshll.u32 s29, $0xD;
	s31 =	sshrl.u32 s29, $0x2  }
0xb6: {  	s1 =	sand.u32 $0x1, s29;
	s2 =	sand.u32 $0x4000, s30;
	s0 =	sadd.s32 s31, s28  }
0xb7: {  	s1 =	sor.u32 s2, s1;
	s0 =	sshll.u32 s0, $0x11  }
0xb8: {  	s0 =	sor.u32 s0, s1  }
0xb9: {  	s0 =	sadd.s32 $0x8F2B, s0  }
0xba: {  	[sflag:s0] =	ssyncadd.remote.s32 $0x1  }
0xbb: {  	_ =	sfence.sel $0xFFFF  }
0xbc: {  	[dreg:$0x0] =	wrdreg $0xFFFFFFFF;
	(pc) =	sbr.abs _section_cstart, $3  }
0xbd: {  	[dreg:$0x1] =	wrdreg $0xFFFFFFFF  }
0xbe: {  	_ =	task.clear_ibuf [dreg:s4], $0x2FFFF;
	_ =	strace $0x9FFFFFFF  }
0xbf: {  	(tm) =	ssettm $0x7FFFFFFF  }
tec
execute0_lowered:
.L_overlay_start_1:
0x0: {  	(tag) =	ssettag $0x1  }
0x1: {  	s0 =	stileid.u32  }
0x2: {  	s1 =	smul.u32 $0x7, s0  }
0x3: {  	s2 =	smin.u32 s0, $0xD  }
0x4: {  	s1 =	sadd.s32 s2, s1  }
0x5: {  	p0 =	slt.u32 s0, $0xD;
	s2 =	simm.s32 $0x640;
	s1 =	smul.u32 $0xC8, s1  }
0x6: {  	s2 =	simm.s32 @!p0 $0x578  }
0x7: {  	s2 =	sadd.s32 s2, s1  }
0x8: {  	s3 =	smin.u32 s2, $0x61A8  }
0x9: {  	s7 =	ssub.s32 s3, s1  }
0xa: {  	p0 =	sgt.s32 s7, $0x0  }
0xb: {  	s7 =	simm.s32 @!p0 $0x0  }
0xc: {  	s31 =	sand.u32 $0xFFF8, s7  }
0xd: {  	s2 =	sshrl.u32 s31, $0x3  }
0xe: {  	s4 =	smul.u32 $0x147B, s2  }
0xf: {  	s9 =	rddreg [dreg:$0x0];
	s6 =	simm.s32 $0x1;
	s11 =	simm.s32 $0x3  }
0x10: {  	s13 =	simm.s32 $0x0;
	s12 =	simm.s32 $0x0;
	s8 =	sshrl.u32 s4, $0x11  }
0x11: {  	s2 =	rddreg [dreg:$0x1];
	_ =	strace $0x8000004D;
	s10 =	smul.u32 $0xC8, s8  }
.Ltmp0:
0x12: {  	s5 =	sadd.s32 $0xC3600, s9;
	[sflag:s6] =	ssyncpa.u1 $0x0;
	(pc) =	sbr.rel .LBB2_1-.Ltmp0, $4  }
0x13: {  	s4 =	sadd.s32 $0x2AE600, s9;
	p0 =	sne.s32 s7, s10;
	s10 =	simm.s32 $0x1  }
0x14: {  	s9 =	sadd.s32 $0xC4400, s9;
	s7 =	simm.s32 $0x2;
	s10 =	simm.s32 @!p0 $0x0  }
0x15: {  	[sflag:s7] =	ssyncpa.u1 $0x0;
	p0 =	por $0x0, $0x0;
	s8 =	sadd.s32 s8, s10  }
0x16: {  	vm0 =	vmmov $0xff;
	vm1 =	vcmask $0x3F20;
	[sflag:s11] =	ssyncpa.u1 $0x0;
	s11 =	smov.u32 s1;
	s10 =	sadd.s32 $0x1, s8  }
.LBB2_6:
0x17: {  	[hbm:s17] =	stream.linear.scatter [tilespmem:s14], [sflag:$0x3], $0x400, $0x38;
	[tilespmem:$0xC990] =	vst v63  }
.LBB2_7:
0x18: {  	s13 =	sadd.s32 $0xC8, s11  }
0x19: {  	s15 =	smov.u32 s1;
	p2 =	slt.s32 s13, s3  }
0x1a: {  	s15 =	smov.u32 @p2 s13;
	p2 =	sne.s32 s12, s10  }
.Ltmp1:
0x1b: {  	p1 =	slt.u32 s12, $0x2;
	(pc) =	sbr.rel @!p2 .LBB2_8-.Ltmp1, $4  }
0x1c: {  	s14 =	simm.s32 @!p1 $0x3  }
0x1d: {  	s16 =	sadd.s32 $0x1, s12;
	_ =	swait.ge @!p1 [sflag:s14], $0x6400  }
0x1e: {  	p0 =	por !p0, !p0;
	s13 =	smov.u32 s11;
	[sflag:s14] =	ssyncset.done @!p1 $0x0  }
0x1f: {  	s12 =	smov.u32 s16;
	s11 =	smov.u32 s15;
	[sflag:s14] =	ssyncadd.s32 @!p1 $0xFFFF9C00  }
.LBB2_1:
0x20: {  	p1 =	sge.u32 s12, s8  }
0x21: {  	s14 =	sxor.u32 @!p1 $0xFFFFFFFF, s12  }
0x22: {  	s14 =	sand.u32 @!p1 $0x1, s14  }
0x23: {  	s14 =	smul.u32 @!p1 $0x320, s14  }
0x24: {  	s31 =	sadd.s32 $0xFFFFFFFF, s12;
	s15 =	sshrl.u32 @!p1 s11, $0x3  }
0x25: {  	s16 =	sand.u32 @!p1 $0x7, s11;
	s15 =	sadd.s32 @!p1 s5, s15;
	s14 =	sshrl.u32 @!p1 s14, $0x2  }
0x26: {  	[tilespmem:s14], [sflag:$0x2] =	stream.linear.gather @!p1 [hbm4b:s15+s16], $0xC8, $0x38;
	[tilespmem:$0xC990] =	vst v63  }
0x27: {  	p1 =	sge.u32 s31, s8  }
.Ltmp2:
0x28: {  	_ = 	snop;
	(pc) =	sbr.rel @p1 .LBB2_7-.Ltmp2, $1  }
0x29: {  	_ =	sdelay $0x3  }
0x2a: {  	s14 =	simm.s32 $0x1  }
0x2b: {  	s14 =	simm.s32 @!p0 $0x0  }
0x2c: {  	s15 =	smul.u32 $0x320, s14  }
0x2d: {  	_ =	swait.ge [sflag:s7], $0xC8  }
0x2e: {  	[sflag:s7] =	ssyncset.done $0x0;
	s16 =	sshrl.u32 s15, $0x2  }
0x2f: {  	[sflag:s7] =	ssyncadd.s32 $0xFFFFFF38;
	s15 =	sadd.s32 $0x0, s16  }
0x30: {  	v0 =	vld.msk [tilespmem:s15+$0x0 ss:$0x1], $0xffff;
	_ =	sdelay $0x4  }
0x31: {  	vm2 =	vgt.s32 v0, $0x0  }
0x32: {  	v0 =	vnsel vm2, $0x0, v0  }
0x33: {  	v0 =	vmin.u32 v0, $0xC34F  }
0x34: {  	v0 =	vshll.u32 v0, $0x4  }
0x35: {  	s14 =	smul.u32 $0x19000, s14  }
0x36: {  	s31 =	sand.u32 $0x1, s12  }
0x37: {  	s17 =	smul.u32 $0x320, s31;
	s14 =	sshrl.u32 s14, $0x2  }
0x38: {  	s19 =	smul.u32 $0x19000, s31;
	s14 =	sor.u32 $0x190, s14  }
0x39: {  	[tilespmem:s14], [sflag:$0x1] =	stream.indirect_vreg.gather [hbm:s4], $0x80, v0, vm0, $0x38;
	[tilespmem:$0xC990] =	vst v63  }
0x3a: {  	s18 =	sshrl.u32 s17, $0x2;
	s20 =	sadd.s32 $0x10, s16;
	s15 =	sadd.s32 $0x400, s14  }
0x3b: {  	[tilespmem:s15], [sflag:$0x1] =	stream.indirect_vreg.gather [hbm:s4], $0x80, v0, vm1, $0x38;
	[tilespmem:$0xC990] =	vst v63  }
0x3c: {  	s17 =	sshrl.u32 s19, $0x2;
	s19 =	smov.u32 s14;
	v0 =	vld.msk [tilespmem:s20+$0x0 ss:$0x1], $0xffff;
	s20 =	simm.s32 $0x80  }
.LBB2_3:
0x3d: {  	p1 =	sne.s32 s20, $0x2C0;
	_ =	sdelay $0x4  }
0x3e: {  	vm2 =	vgt.s32 v0, $0x0  }
0x3f: {  	v0 =	vnsel vm2, $0x0, v0  }
0x40: {  	v0 =	vmin.u32 v0, $0xC34F  }
0x41: {  	v0 =	vshll.u32 v0, $0x4;
	_ =	sdelay $0x3  }
.Ltmp3:
0x42: {  	s21 =	sshra.s32 s20, $0x2;
	s19 =	sadd.s32 $0x800, s19;
	(pc) =	sbr.rel @p1 .LBB2_3-.Ltmp3, $4  }
0x43: {  	[tilespmem:s19], [sflag:$0x1] =	stream.indirect_vreg.gather [hbm:s4], $0x80, v0, vm0, $0x38;
	[tilespmem:$0xC990] =	vst v63  }
0x44: {  	s21 =	sadd.s32 s21, s16;
	s22 =	sadd.s32 $0x400, s19  }
0x45: {  	[tilespmem:s22], [sflag:$0x1] =	stream.indirect_vreg.gather [hbm:s4], $0x80, v0, vm1, $0x38;
	[tilespmem:$0xC990] =	vst v63  }
0x46: {  	s20 =	sadd.s32 $0x40, s20;
	v0 =	vld.msk [tilespmem:s21+$0x0 ss:$0x1], $0xffff  }
0x47: {  	_ =	sdelay $0x3  }
0x48: {  	vm2 =	vgt.s32 v0, $0x0  }
0x49: {  	v0 =	vnsel vm2, $0x0, v0  }
0x4a: {  	v0 =	vmin.u32 v0, $0xC34F  }
0x4b: {  	v0 =	vshll.u32 v0, $0x4;
	_ =	sdelay $0x3  }
0x4c: {  	s16 =	sadd.s32 $0x800, s19  }
0x4d: {  	[tilespmem:s16], [sflag:$0x1] =	stream.indirect_vreg.gather [hbm:s4], $0x80, v0, vm0, $0x38;
	[tilespmem:$0xC990] =	vst v63  }
0x4e: {  	s16 =	sadd.s32 $0x400, s16  }
0x4f: {  	[tilespmem:s16], [sflag:$0x1] =	stream.indirect_vreg.gather [hbm:s4], $0x80, v0, vm1, $0x38;
	[tilespmem:$0xC990] =	vst v63  }
0x50: {  	v0 =	vld.msk [tilespmem:s18+$0xC0 ss:$0x1], $0xff;
	_ =	sdelay $0x4  }
0x51: {  	vm2 =	vgt.s32 v0, $0x0  }
0x52: {  	v0 =	vnsel vm2, $0x0, v0  }
0x53: {  	v0 =	vmin.u32 v0, $0xC34F  }
0x54: {  	v0 =	vshll.u32 v0, $0x4;
	_ =	sdelay $0x3  }
0x55: {  	s31 =	sadd.s32 $0x6190, s17  }
0x56: {  	[tilespmem:s31], [sflag:$0x1] =	stream.indirect_vreg.gather [hbm:s4], $0x80, v0, vm0, $0x38;
	[tilespmem:$0xC990] =	vst v63  }
0x57: {  	s13 =	sshll.u32 s13, $0x4;
	_ =	swait.ge [sflag:s6], $0x6400  }
0x58: {  	s13 =	sadd.s32 s13, s9;
	[sflag:s6] =	ssyncset.done $0x0  }
0x59: {  	s17 =	sadd.s32 $0x0, s13;
	s16 =	simm.s32 $0x80;
	[sflag:s6] =	ssyncadd.s32 $0xFFFF9C00  }
.LBB2_5:
0x5a: {  	[hbm:s17] =	stream.linear.scatter [tilespmem:s14], [sflag:$0x3], $0x400, $0x38;
	[tilespmem:$0xC990] =	vst v63  }
0x5b: {  	s17 =	smov.u32 s16;
	s14 =	smov.u32 s15;
	p1 =	sne.s32 s16, $0xC00  }
.Ltmp4:
0x5c: {  	s16 =	sadd.s32 $0x80, s16;
	(pc) =	sbr.rel @p1 .LBB2_5-.Ltmp4, $2  }
0x5d: {  	_ =	sdelay $0x2  }
0x5e: {  	s15 =	sadd.s32 $0x400, s15;
	s17 =	sadd.s32 s17, s13  }
.Ltmp5:
0x5f: {  	_ = 	snop;
	(pc) =	sbr.rel .LBB2_6-.Ltmp5, $1  }
0x60: {  	_ =	sdelay $0x3  }
.LBB2_8:
0x61: {  	_ =	sfence.sel $0x180000  }
0x62: {  	s1 =	simm.s32 $0x2;
	[bflag:$0x0] =	sbarrier.arrive $0xFFFF  }
0x63: {  	s30 =	simm.s32 $0x3;
	[sflag:s1] =	ssyncpa.u1 $0x1  }
0x64: {  	s31 =	simm.s32 $0x1;
	[sflag:s30] =	ssyncpa.u1 $0x1  }
0x65: {  	[sflag:s31] =	ssyncpa.u1 $0x1  }
0x66: {  	p0 =	sne.s32 s0, $0x0;
	_ =	strace $0x9000004D  }
0x67: {  	s0 =	sadd.s32 @!p0 $0x100000, s2;
	[bflag:$0x2] =	sbarrier.arrive $0xFFFF  }
0x68: {  	[sflag:s0] =	ssyncadd.tile.s32 @!p0 $0x1;
	_ =	shalt  }
.Lfunc_end2:
_tile_overlayer_lowered:
.L_overlay_start_2:
0x69: {  	(tag) =	ssettag $0x2  }
0x6a: {  	s0 =	rddreg [dreg:$0x0];
	s2 =	stileid.u32  }
0x6b: {  	s1 =	rddreg [dreg:$0x1];
	p0 =	sne.s32 s2, $0x0  }
0x6c: {  	s3 =	rddreg [dreg:$0x2];
	[bflag:$0x3] =	sbarrier.arrive $0xFFFF;
	s2 =	simm.s32 @!p0 $0x1C01  }
0x6d: {  	[timem:s3], [sflag:s2] =	dma.local @!p0 [hbm:s0], s1  }
0x6e: {  	s0 =	simm.s32 @!p0 $0x1  }
0x6f: {  	_ =	swait.ge @!p0 [sflag:s0], s1  }
0x70: {  	s1 =	ssub.s32 @!p0 $0x0, s1;
	[sflag:s0] =	ssyncset.done @!p0 $0x0  }
0x71: {  	[sflag:s0] =	ssyncadd.s32 @!p0 s1  }
0x72: {  	[bflag:$0x3] =	sbarrier.arrive $0xFFFF  }
0x73: {  	_ =	shalt  }

// kernel: gather_offload_async_start
scs
__scs_entry_jumppad:
0x0: {  	(pc) =	sbr.rel $0x88, $3  }
0x1: {  	(tag) =	ssettag $0x0;
	lr =	simm.s32 $0x1  }
0x2: {  	[smem:$0x3F86] =	sst lr;
	_ =	strace $0xD0000000  }
0x3: {  	_ = 	snop  }
0x4: {  	_ = 	snop  }
0x5: {  	_ = 	snop  }
0x6: {  	_ = 	snop  }
0x7: {  	_ = 	snop  }
__scs_overlays_trampoline_lowered:
0x8: {  	[smem:$0x3F95] =	sst s0  }
0x9: {  	[smem:$0x3F96] =	sst s1  }
0xa: {  	[smem:$0x3F97] =	sst s2  }
0xb: {  	[smem:$0x3F98] =	sst s3  }
0xc: {  	[smem:$0x3F99] =	sst s4  }
0xd: {  	[smem:$0x3F9A] =	sst s5  }
0xe: {  	[smem:$0x3F9B] =	sst s6  }
0xf: {  	[smem:$0x3F9C] =	sst s7  }
0x10: {  	[smem:$0x3F9D] =	sst s8  }
0x11: {  	[smem:$0x3F9E] =	sst s9;
	s0 =	simm.s32 @!p0 $0x0  }
0x12: {  	s1 =	sld [smem:$0x3F84];
	s0 =	simm.s32 @p0 $0x1  }
0x13: {  	[smem:$0x3F9F] =	sst s0;
	s0 =	simm.s32 @!p1 $0x0  }
0x14: {  	s2 =	sld [smem:$0x3F83];
	s0 =	simm.s32 @p1 $0x1  }
0x15: {  	[smem:$0x3FA0] =	sst s0;
	s0 =	simm.s32 @!p2 $0x0  }
0x16: {  	s3 =	sld [smem:$0x3FDB];
	s0 =	simm.s32 @p2 $0x1  }
0x17: {  	s4 =	simm.s32 $0x1BF5;
	[smem:$0x3FA2] =	sst s0  }
0x18: {  	s0 =	sld [smem:$0x3F85];
	_ =	swait.ge [sflag:s4], $0x0  }
0x19: {  	s7 =	sld [smem:$0x3F86]  }
0x1a: {  	s8 =	sadd.s32 $0xFFFFE003, lr  }
0x1b: {  	s9 =	sadd.s32 $0xFFFFFEF7, lr;
	s5 =	simm.s32 $0xFFFFFFFF;
	p2 =	slt.u32 s8, $0xFFFFF086  }
0x1c: {  	p1 =	slt.u32 s9, $0xF7A;
	s5 =	simm.s32 @!p2 $0x0  }
0x1d: {  	s5 =	simm.s32 @p1 $0x1;
	p0 =	seq.s32 s7, s2  }
0x1e: {  	s7 =	smul.u32 @!p0 $0xF7A, s2;
	p2 =	seq.s32 @!p0 s5, $0x0  }
0x1f: {  	s9 =	smul.u32 $0xF7A, s1;
	s8 =	simm.s32 @!p0 $0x1BF5;
	p2 =	por !p2, p0  }
0x20: {  	[sflag:s8] =	ssyncset.s32 @!p0 $0xFFFFF086;
	s6 =	sadd.s32 @!p0 s3, s7;
	s7 =	simm.s32 @!p0 $0x108  }
0x21: {  	s3 =	sadd.s32 s3, s9;
	s6 =	sadd.s32 @!p0 $0x88, s6;
	s7 =	simm.s32 @p2 $0x1082  }
0x22: {  	[simem:s7], [sflag:s8] =	dma.local @!p0 [hbm:s6], $0xF7A  }
0x23: {  	s9 =	sor.u32 $0xD0000000, s2;
	s6 =	simm.s32 $0x108;
	_ =	swait.ge @!p0 [sflag:s8], $0x0  }
0x24: {  	s3 =	sadd.s32 $0x88, s3;
	s6 =	simm.s32 @!p1 $0x1082;
	[sflag:s4] =	ssyncset.s32 $0xFFFFF086  }
0x25: {  	[simem:s6], [sflag:s4] =	dma.local [hbm:s3], $0xF7A  }
0x26: {  	[smem:$0x3F86] =	sst s1;
	(tag) =	ssettag s2;
	_ =	strace s9  }
0x27: {  	s1 =	sld [smem:$0x3F96]  }
0x28: {  	s2 =	sld [smem:$0x3F97]  }
0x29: {  	s4 =	sld [smem:$0x3F99]  }
0x2a: {  	p0 =	seq.s32 s5, $0x0;
	s5 =	sld [smem:$0x3F9A]  }
0x2b: {  	s6 =	sld [smem:$0x3F9B]  }
0x2c: {  	s7 =	sld [smem:$0x3F9C]  }
0x2d: {  	s3 =	simm.s32 $0x108;
	s8 =	sld [smem:$0x3F9D]  }
0x2e: {  	s3 =	simm.s32 @!p0 $0x1082;
	s9 =	sld [smem:$0x3F9E]  }
0x2f: {  	lr =	sadd.s32 s0, s3;
	s0 =	sld [smem:$0x3F95]  }
0x30: {  	s3 =	sld [smem:$0x3F98]  }
0x31: {  	[smem:$0x3FA1] =	sst s10  }
0x32: {  	s10 =	sld [smem:$0x3F9F];
	_ =	sdelay $0x3  }
0x33: {  	p0 =	seq.s32 s10, $0x1;
	s10 =	sld [smem:$0x3FA1];
	_ =	sdelay $0x3  }
0x34: {  	[smem:$0x3FA1] =	sst s10  }
0x35: {  	s10 =	sld [smem:$0x3FA0];
	_ =	sdelay $0x3  }
0x36: {  	p1 =	seq.s32 s10, $0x1;
	s10 =	sld [smem:$0x3FA1];
	_ =	sdelay $0x3  }
0x37: {  	[smem:$0x3FA1] =	sst s10  }
0x38: {  	s10 =	sld [smem:$0x3FA2]  }
0x39: {  	_ = 	snop;
	(pc) =	sbr.ind lr, $3  }
0x3a: {  	_ = 	snop  }
0x3b: {  	_ = 	snop  }
0x3c: {  	p2 =	seq.s32 s10, $0x1;
	s10 =	sld [smem:$0x3FA1]  }
0x3d: {  	_ =	shalt  }
0x3e: {  	_ =	shalt  }
0x3f: {  	_ =	shalt  }
0x40: {  	_ =	shalt  }
0x41: {  	_ =	shalt  }
0x42: {  	_ =	shalt  }
0x43: {  	_ =	shalt  }
0x44: {  	_ =	shalt  }
0x45: {  	_ =	shalt  }
0x46: {  	_ =	shalt  }
0x47: {  	_ =	shalt  }
0x48: {  	_ =	shalt  }
0x49: {  	_ =	shalt  }
0x4a: {  	_ =	shalt  }
0x4b: {  	_ =	shalt  }
0x4c: {  	_ =	shalt  }
0x4d: {  	_ =	shalt  }
0x4e: {  	_ =	shalt  }
0x4f: {  	_ =	shalt  }
0x50: {  	_ =	shalt  }
0x51: {  	_ =	shalt  }
0x52: {  	_ =	shalt  }
0x53: {  	_ =	shalt  }
0x54: {  	_ =	shalt  }
0x55: {  	_ =	shalt  }
0x56: {  	_ =	shalt  }
0x57: {  	_ =	shalt  }
0x58: {  	_ =	shalt  }
0x59: {  	_ =	shalt  }
0x5a: {  	_ =	shalt  }
0x5b: {  	_ =	shalt  }
0x5c: {  	_ =	shalt  }
0x5d: {  	_ =	shalt  }
0x5e: {  	_ =	shalt  }
0x5f: {  	_ =	shalt  }
0x60: {  	_ =	shalt  }
0x61: {  	_ =	shalt  }
0x62: {  	_ =	shalt  }
0x63: {  	_ =	shalt  }
0x64: {  	_ =	shalt  }
0x65: {  	_ =	shalt  }
0x66: {  	_ =	shalt  }
0x67: {  	_ =	shalt  }
0x68: {  	_ =	shalt  }
0x69: {  	_ =	shalt  }
0x6a: {  	_ =	shalt  }
0x6b: {  	_ =	shalt  }
0x6c: {  	_ =	shalt  }
0x6d: {  	_ =	shalt  }
0x6e: {  	_ =	shalt  }
0x6f: {  	_ =	shalt  }
0x70: {  	_ =	shalt  }
0x71: {  	_ =	shalt  }
0x72: {  	_ =	shalt  }
0x73: {  	_ =	shalt  }
0x74: {  	_ =	shalt  }
0x75: {  	_ =	shalt  }
0x76: {  	_ =	shalt  }
0x77: {  	_ =	shalt  }
0x78: {  	_ =	shalt  }
0x79: {  	_ =	shalt  }
0x7a: {  	_ =	shalt  }
0x7b: {  	_ =	shalt  }
0x7c: {  	_ =	shalt  }
0x7d: {  	_ =	shalt  }
0x7e: {  	_ =	shalt  }
0x7f: {  	_ =	shalt  }
0x80: {  	_ =	shalt  }
0x81: {  	_ =	shalt  }
0x82: {  	_ =	shalt  }
0x83: {  	_ =	shalt  }
0x84: {  	_ =	shalt  }
0x85: {  	_ =	shalt  }
0x86: {  	_ =	shalt  }
0x87: {  	_ =	shalt  }
.Lfunc_end0:
.L_simem_size_0:
called_computation_lowered:
.L_overlay_start_0:
0x88: {  	s0 =	sld [smem:$0x3FD9]  }
0x89: {  	s1 =	sld [smem:$0x3FFE];
	_ =	sdelay $0x3  }
0x8a: {  	s0 =	sadd.s32 s1, s0  }
0x8b: {  	[smem:$0x3FAD] =	sst s0  }
0x8c: {  	_ = 	snop  }
0x8d: {  	(tm) =	ssettm $0x1  }
0x8e: {  	s15 =	sld [smem:$0x3FFB];
	_ =	sdelay $0x3  }
0x8f: {  	_ =	strace s15  }
0x90: {  	s0 =	sld [smem:$0x3FFC];
	_ =	sdelay $0x3  }
0x91: {  	_ =	strace s0  }
0x92: {  	s0 =	sld [smem:$0x3FFD];
	_ =	sdelay $0x3  }
0x93: {  	_ =	strace s0  }
0x94: {  	_ =	strace $0x8FFFFFFF  }
0x95: {  	s16 =	sld [smem:$0x3FDB];
	_ =	sdelay $0x1  }
0x96: {  	s17 =	simm.s32 $_scs_section_size  }
0x97: {  	s2 =	simm.s32 $_size__tile_overlayer_lowered;
	s3 =	simm.s32 $_tile_overlayer_lowered  }
0x98: {  	s20 =	simm.s32 $0x1BFF;
	s19 =	sshll.u32 s3, $0x1;
	s0 =	sadd.s32 s17, s16  }
0x99: {  	s4 =	simm.s32 $0x0;
	s18 =	sshll.u32 s2, $0x1;
	s2 =	sadd.s32 s19, s0  }
0x9a: {  	[timem:s4], [sflag:s20] =	dma.local [hbm:s2], s18  }
0x9b: {  	_ =	swait.ge [sflag:s20], s18  }
0x9c: {  	s1 =	ssub.s32 $0x0, s18;
	[sflag:s20] =	ssyncset.done $0x0  }
0x9d: {  	[sflag:s20] =	ssyncadd.s32 s1;
	_ =	sdelay $0x1  }
0x9e: {  	s21 =	simm.s32 $0x1B8B  }
0x9f: {  	_ =	swait.ge [sflag:s21], $0x1  }
0xa0: {  	[sflag:s21] =	ssyncset.done $0x0  }
0xa1: {  	s23 =	simm.s32 $0x1B8E;
	s22 =	sld [smem:$0x3FFE];
	[sflag:s21] =	ssyncadd.s32 $0xFFFFFFFF  }
0xa2: {  	s24 =	simm.s32 $execute0_lowered;
	[smem:$0x3FD2] =	sst s23  }
0xa3: {  	s2 =	sshll.u32 s24, $0x1;
	_ =	strace $0x80000046;
	[dreg:$0x1] =	wrdreg $0xFFFFFFFF  }
0xa4: {  	s25 =	simm.s32 $_size_execute0_lowered;
	s0 =	sadd.s32 s0, s2;
	[dreg:$0x0] =	wrdreg $0x0  }
0xa5: {  	s2 =	sshll.u32 s25, $0x1;
	[dreg:$0x2] =	wrdreg s0  }
0xa6: {  	[dreg:$0x3] =	wrdreg s2  }
0xa7: {  	[dreg:$0x4] =	wrdreg $0xC0  }
0xa8: {  	_ =	task [dreg:s4], $0x5FFFF  }
0xa9: {  	[dreg:$0x1] =	wrdreg $0xFFFFFFFF  }
0xaa: {  	[dreg:$0x0] =	wrdreg $0x60  }
0xab: {  	[dreg:$0x2] =	wrdreg s22  }
0xac: {  	[dreg:$0x3] =	wrdreg $0x9  }
0xad: {  	_ =	task.clear_ibuf [dreg:s4], $0x4FFFF;
	_ =	strace $0x90000046  }
0xae: {  	s26 =	simm.s32 $0x9;
	_ =	strace $0x80000048  }
0xaf: {  	_ =	swait.ge [sflag:s26], $0x1  }
0xb0: {  	[sflag:s26] =	ssyncadd.s32 $0xFFFFFFFF  }
0xb1: {  	_ =	strace $0x90000048  }
0xb2: {  	_ =	sfence  }
0xb3: {  	s28 =	sld [smem:$0x0];
	_ =	sdelay $0x1  }
0xb4: {  	s29 =	srdreg.scid  }
0xb5: {  	s30 =	sshll.u32 s29, $0xD;
	s31 =	sshrl.u32 s29, $0x2  }
0xb6: {  	s1 =	sand.u32 $0x1, s29;
	s2 =	sand.u32 $0x4000, s30;
	s0 =	sadd.s32 s31, s28  }
0xb7: {  	s1 =	sor.u32 s2, s1;
	s0 =	sshll.u32 s0, $0x11  }
0xb8: {  	s0 =	sor.u32 s0, s1  }
0xb9: {  	s0 =	sadd.s32 $0x8F2B, s0  }
0xba: {  	[sflag:s0] =	ssyncadd.remote.s32 $0x1  }
0xbb: {  	_ =	sfence.sel $0xFFFF  }
0xbc: {  	[dreg:$0x0] =	wrdreg $0xFFFFFFFF;
	(pc) =	sbr.abs _section_cstart, $3  }
0xbd: {  	[dreg:$0x1] =	wrdreg $0xFFFFFFFF  }
0xbe: {  	_ =	task.clear_ibuf [dreg:s4], $0x2FFFF;
	_ =	strace $0x9FFFFFFF  }
0xbf: {  	(tm) =	ssettm $0x7FFFFFFF  }
tec
execute0_lowered:
.L_overlay_start_1:
0x0: {  	(tag) =	ssettag $0x1  }
0x1: {  	s0 =	stileid.u32  }
0x2: {  	s1 =	smul.u32 $0x7, s0  }
0x3: {  	s2 =	smin.u32 s0, $0xD  }
0x4: {  	s1 =	sadd.s32 s2, s1  }
0x5: {  	p0 =	slt.u32 s0, $0xD;
	s2 =	simm.s32 $0x640;
	s1 =	smul.u32 $0xC8, s1  }
0x6: {  	s2 =	simm.s32 @!p0 $0x578  }
0x7: {  	s2 =	sadd.s32 s2, s1  }
0x8: {  	s3 =	smin.u32 s2, $0x61A8  }
0x9: {  	s7 =	ssub.s32 s3, s1  }
0xa: {  	p0 =	sgt.s32 s7, $0x0  }
0xb: {  	s7 =	simm.s32 @!p0 $0x0  }
0xc: {  	s31 =	sand.u32 $0xFFF8, s7  }
0xd: {  	s2 =	sshrl.u32 s31, $0x3  }
0xe: {  	s2 =	smul.u32 $0x147B, s2  }
0xf: {  	s4 =	rddreg [dreg:$0x0];
	s6 =	simm.s32 $0x1  }
0x10: {  	s10 =	simm.s32 $0x3;
	s13 =	simm.s32 $0x0;
	s8 =	sshrl.u32 s2, $0x11  }
0x11: {  	s12 =	simm.s32 $0x0;
	s5 =	sadd.s32 $0xC3600, s4;
	s9 =	smul.u32 $0xC8, s8  }
.Ltmp0:
0x12: {  	s11 =	smov.u32 s1;
	s2 =	rddreg [dreg:$0x1];
	(pc) =	sbr.rel .LBB2_1-.Ltmp0, $4  }
0x13: {  	_ =	strace $0x80000047;
	p0 =	sne.s32 s7, s9;
	s9 =	simm.s32 $0x1  }
0x14: {  	[sflag:s6] =	ssyncpa.u1 $0x0;
	s7 =	simm.s32 $0x2;
	s9 =	simm.s32 @!p0 $0x0  }
0x15: {  	[sflag:s7] =	ssyncpa.u1 $0x0;
	p0 =	por $0x0, $0x0;
	s8 =	sadd.s32 s8, s9  }
0x16: {  	vm0 =	vmmov $0xff;
	vm1 =	vcmask $0x3F20;
	s9 =	sadd.s32 $0xC4400, s4;
	[sflag:s10] =	ssyncpa.u1 $0x0;
	s10 =	sadd.s32 $0x1, s8  }
.LBB2_6:
0x17: {  	[hbm:s17] =	stream.linear.scatter [tilespmem:s14], [sflag:$0x3], $0x400, $0x38;
	[tilespmem:$0xC990] =	vst v63  }
.LBB2_7:
0x18: {  	s13 =	sadd.s32 $0xC8, s11  }
0x19: {  	s15 =	smov.u32 s1;
	p2 =	slt.s32 s13, s3  }
0x1a: {  	s15 =	smov.u32 @p2 s13;
	p2 =	sne.s32 s12, s10  }
.Ltmp1:
0x1b: {  	p1 =	slt.u32 s12, $0x2;
	(pc) =	sbr.rel @!p2 .LBB2_8-.Ltmp1, $4  }
0x1c: {  	s14 =	simm.s32 @!p1 $0x3  }
0x1d: {  	s16 =	sadd.s32 $0x1, s12;
	_ =	swait.ge @!p1 [sflag:s14], $0x6400  }
0x1e: {  	p0 =	por !p0, !p0;
	s13 =	smov.u32 s11;
	[sflag:s14] =	ssyncset.done @!p1 $0x0  }
0x1f: {  	s12 =	smov.u32 s16;
	s11 =	smov.u32 s15;
	[sflag:s14] =	ssyncadd.s32 @!p1 $0xFFFF9C00  }
.LBB2_1:
0x20: {  	p1 =	sge.u32 s12, s8  }
0x21: {  	s14 =	sxor.u32 @!p1 $0xFFFFFFFF, s12  }
0x22: {  	s14 =	sand.u32 @!p1 $0x1, s14  }
0x23: {  	s14 =	smul.u32 @!p1 $0x320, s14  }
0x24: {  	s31 =	sadd.s32 $0xFFFFFFFF, s12;
	s15 =	sshrl.u32 @!p1 s11, $0x3  }
0x25: {  	s16 =	sand.u32 @!p1 $0x7, s11;
	s15 =	sadd.s32 @!p1 s5, s15;
	s14 =	sshrl.u32 @!p1 s14, $0x2  }
0x26: {  	[tilespmem:s14], [sflag:$0x2] =	stream.linear.gather @!p1 [hbm4b:s15+s16], $0xC8, $0x38;
	[tilespmem:$0xC990] =	vst v63  }
0x27: {  	p1 =	sge.u32 s31, s8  }
.Ltmp2:
0x28: {  	_ = 	snop;
	(pc) =	sbr.rel @p1 .LBB2_7-.Ltmp2, $1  }
0x29: {  	_ =	sdelay $0x3  }
0x2a: {  	s14 =	simm.s32 $0x1  }
0x2b: {  	s14 =	simm.s32 @!p0 $0x0  }
0x2c: {  	s15 =	smul.u32 $0x320, s14  }
0x2d: {  	_ =	swait.ge [sflag:s7], $0xC8  }
0x2e: {  	[sflag:s7] =	ssyncset.done $0x0;
	s16 =	sshrl.u32 s15, $0x2  }
0x2f: {  	[sflag:s7] =	ssyncadd.s32 $0xFFFFFF38;
	s15 =	sadd.s32 $0x0, s16  }
0x30: {  	v0 =	vld.msk [tilespmem:s15+$0x0 ss:$0x1], $0xffff;
	_ =	sdelay $0x4  }
0x31: {  	vm2 =	vgt.s32 v0, $0x0  }
0x32: {  	v0 =	vnsel vm2, $0x0, v0  }
0x33: {  	v0 =	vmin.u32 v0, $0xC34F  }
0x34: {  	v0 =	vshll.u32 v0, $0x4  }
0x35: {  	s14 =	smul.u32 $0x19000, s14  }
0x36: {  	s31 =	sand.u32 $0x1, s12  }
0x37: {  	s17 =	smul.u32 $0x320, s31;
	s14 =	sshrl.u32 s14, $0x2  }
0x38: {  	s19 =	smul.u32 $0x19000, s31;
	s14 =	sor.u32 $0x190, s14  }
0x39: {  	[tilespmem:s14], [sflag:$0x1] =	stream.indirect_vreg.gather [hbm:s4], $0x80, v0, vm0, $0x38;
	[tilespmem:$0xC990] =	vst v63  }
0x3a: {  	s18 =	sshrl.u32 s17, $0x2;
	s20 =	sadd.s32 $0x10, s16;
	s15 =	sadd.s32 $0x400, s14  }
0x3b: {  	[tilespmem:s15], [sflag:$0x1] =	stream.indirect_vreg.gather [hbm:s4], $0x80, v0, vm1, $0x38;
	[tilespmem:$0xC990] =	vst v63  }
0x3c: {  	s17 =	sshrl.u32 s19, $0x2;
	s19 =	smov.u32 s14;
	v0 =	vld.msk [tilespmem:s20+$0x0 ss:$0x1], $0xffff;
	s20 =	simm.s32 $0x80  }
.LBB2_3:
0x3d: {  	p1 =	sne.s32 s20, $0x2C0;
	_ =	sdelay $0x4  }
0x3e: {  	vm2 =	vgt.s32 v0, $0x0  }
0x3f: {  	v0 =	vnsel vm2, $0x0, v0  }
0x40: {  	v0 =	vmin.u32 v0, $0xC34F  }
0x41: {  	v0 =	vshll.u32 v0, $0x4;
	_ =	sdelay $0x3  }
.Ltmp3:
0x42: {  	s21 =	sshra.s32 s20, $0x2;
	s19 =	sadd.s32 $0x800, s19;
	(pc) =	sbr.rel @p1 .LBB2_3-.Ltmp3, $4  }
0x43: {  	[tilespmem:s19], [sflag:$0x1] =	stream.indirect_vreg.gather [hbm:s4], $0x80, v0, vm0, $0x38;
	[tilespmem:$0xC990] =	vst v63  }
0x44: {  	s21 =	sadd.s32 s21, s16;
	s22 =	sadd.s32 $0x400, s19  }
0x45: {  	[tilespmem:s22], [sflag:$0x1] =	stream.indirect_vreg.gather [hbm:s4], $0x80, v0, vm1, $0x38;
	[tilespmem:$0xC990] =	vst v63  }
0x46: {  	s20 =	sadd.s32 $0x40, s20;
	v0 =	vld.msk [tilespmem:s21+$0x0 ss:$0x1], $0xffff  }
0x47: {  	_ =	sdelay $0x3  }
0x48: {  	vm2 =	vgt.s32 v0, $0x0  }
0x49: {  	v0 =	vnsel vm2, $0x0, v0  }
0x4a: {  	v0 =	vmin.u32 v0, $0xC34F  }
0x4b: {  	v0 =	vshll.u32 v0, $0x4;
	_ =	sdelay $0x3  }
0x4c: {  	s16 =	sadd.s32 $0x800, s19  }
0x4d: {  	[tilespmem:s16], [sflag:$0x1] =	stream.indirect_vreg.gather [hbm:s4], $0x80, v0, vm0, $0x38;
	[tilespmem:$0xC990] =	vst v63  }
0x4e: {  	s16 =	sadd.s32 $0x400, s16  }
0x4f: {  	[tilespmem:s16], [sflag:$0x1] =	stream.indirect_vreg.gather [hbm:s4], $0x80, v0, vm1, $0x38;
	[tilespmem:$0xC990] =	vst v63  }
0x50: {  	v0 =	vld.msk [tilespmem:s18+$0xC0 ss:$0x1], $0xff;
	_ =	sdelay $0x4  }
0x51: {  	vm2 =	vgt.s32 v0, $0x0  }
0x52: {  	v0 =	vnsel vm2, $0x0, v0  }
0x53: {  	v0 =	vmin.u32 v0, $0xC34F  }
0x54: {  	v0 =	vshll.u32 v0, $0x4;
	_ =	sdelay $0x3  }
0x55: {  	s31 =	sadd.s32 $0x6190, s17  }
0x56: {  	[tilespmem:s31], [sflag:$0x1] =	stream.indirect_vreg.gather [hbm:s4], $0x80, v0, vm0, $0x38;
	[tilespmem:$0xC990] =	vst v63  }
0x57: {  	s13 =	sshll.u32 s13, $0x4;
	_ =	swait.ge [sflag:s6], $0x6400  }
0x58: {  	s13 =	sadd.s32 s13, s9;
	[sflag:s6] =	ssyncset.done $0x0  }
0x59: {  	s17 =	sadd.s32 $0x0, s13;
	s16 =	simm.s32 $0x80;
	[sflag:s6] =	ssyncadd.s32 $0xFFFF9C00  }
.LBB2_5:
0x5a: {  	[hbm:s17] =	stream.linear.scatter [tilespmem:s14], [sflag:$0x3], $0x400, $0x38;
	[tilespmem:$0xC990] =	vst v63  }
0x5b: {  	s17 =	smov.u32 s16;
	s14 =	smov.u32 s15;
	p1 =	sne.s32 s16, $0xC00  }
.Ltmp4:
0x5c: {  	s16 =	sadd.s32 $0x80, s16;
	(pc) =	sbr.rel @p1 .LBB2_5-.Ltmp4, $2  }
0x5d: {  	_ =	sdelay $0x2  }
0x5e: {  	s15 =	sadd.s32 $0x400, s15;
	s17 =	sadd.s32 s17, s13  }
.Ltmp5:
0x5f: {  	_ = 	snop;
	(pc) =	sbr.rel .LBB2_6-.Ltmp5, $1  }
0x60: {  	_ =	sdelay $0x3  }
.LBB2_8:
0x61: {  	_ =	sfence.sel $0x180000  }
0x62: {  	s1 =	simm.s32 $0x2;
	[bflag:$0x0] =	sbarrier.arrive $0xFFFF  }
0x63: {  	s30 =	simm.s32 $0x3;
	[sflag:s1] =	ssyncpa.u1 $0x1  }
0x64: {  	s31 =	simm.s32 $0x1;
	[sflag:s30] =	ssyncpa.u1 $0x1  }
0x65: {  	[sflag:s31] =	ssyncpa.u1 $0x1  }
0x66: {  	p0 =	sne.s32 s0, $0x0;
	_ =	strace $0x90000047  }
0x67: {  	s0 =	sadd.s32 @!p0 $0x100000, s2;
	[bflag:$0x2] =	sbarrier.arrive $0xFFFF  }
0x68: {  	[sflag:s0] =	ssyncadd.tile.s32 @!p0 $0x1;
	_ =	shalt  }
.Lfunc_end2:
_tile_overlayer_lowered:
.L_overlay_start_2:
0x69: {  	(tag) =	ssettag $0x2  }
0x6a: {  	s0 =	rddreg [dreg:$0x0];
	s2 =	stileid.u32  }
0x6b: {  	s1 =	rddreg [dreg:$0x1];
	p0 =	sne.s32 s2, $0x0  }
0x6c: {  	s3 =	rddreg [dreg:$0x2];
	[bflag:$0x3] =	sbarrier.arrive $0xFFFF;
	s2 =	simm.s32 @!p0 $0x1C01  }
0x6d: {  	[timem:s3], [sflag:s2] =	dma.local @!p0 [hbm:s0], s1  }
0x6e: {  	s0 =	simm.s32 @!p0 $0x1  }
0x6f: {  	_ =	swait.ge @!p0 [sflag:s0], s1  }
0x70: {  	s1 =	ssub.s32 @!p0 $0x0, s1;
	[sflag:s0] =	ssyncset.done @!p0 $0x0  }
0x71: {  	[sflag:s0] =	ssyncadd.s32 @!p0 s1  }
0x72: {  	[bflag:$0x3] =	sbarrier.arrive $0xFFFF  }
0x73: {  	_ =	shalt  }

</sc_bundles>
